<compile_context>
chip_gen: v7x
topology: tpu7x:2x2x1
jax: 0.10.2.dev20260603
libtpu: 0.0.44.dev20260713+nightly
codegen_flags: <defaults>
</compile_context>

<pallas_src>
import functools

import jax
import jax.numpy as jnp
from jax import lax
from jax.experimental import pallas as pl
from jax.experimental.pallas import tpu as pltpu
from jax.experimental.pallas import tpu_sc as plsc

N = 10000
NP = 10240
E = 320000
D = 128
NC = 2
NS = 16
NW = NC * NS
EPW = E // NW
CH = 80
NCHUNK = EPW // CH
RPS = NP // NS
BLK = 1024
GRID = NP // BLK

_MESH = plsc.VectorSubcoreMesh(core_axis_name="c", subcore_axis_name="s")


def _make_seg_kernel(with_cnt: bool):
    out_type = [jax.ShapeDtypeStruct((NC, NP, D), jnp.float32)]
    if with_cnt:
        out_type.append(jax.ShapeDtypeStruct((NC, NP), jnp.float32))

    scratch = [
        pltpu.VMEM((NCHUNK, CH), jnp.int32),
        pltpu.VMEM((NCHUNK, CH), jnp.int32),
        pltpu.VMEM((CH, D), jnp.float32),
        pltpu.VMEM((CH,), jnp.float32),
        pltpu.VMEM((RPS,), jnp.float32),
        pltpu.VMEM_SHARED((NP, D), jnp.float32),
        pltpu.VMEM_SHARED((NP,), jnp.float32),
        pltpu.SemaphoreType.DMA,
    ]

    @functools.partial(pl.kernel, mesh=_MESH, out_type=out_type,
                       scratch_types=scratch)
    def seg(y_hbm, src_hbm, dst_hbm, *refs):
        if with_cnt:
            sum_hbm, cnt_hbm = refs[0], refs[1]
            rest = refs[2:]
        else:
            sum_hbm = refs[0]
            cnt_hbm = None
            rest = refs[1:]
        (src_v, dst_v, rows_v, ones_v, zcnt_v,
         acc_sh, cnt_sh, sem) = rest

        cid = lax.axis_index("c")
        sid = lax.axis_index("s")
        wid = sid * NC + cid

        def zfill(i, carry):
            for k in range(D // 16):
                rows_v[i, pl.ds(k * 16, 16)] = jnp.zeros((16,), jnp.float32)
            return carry
        lax.fori_loop(0, CH, zfill, 0)

        def zcfill(i, carry):
            zcnt_v[pl.ds(i * 16, 16)] = jnp.zeros((16,), jnp.float32)
            return carry
        lax.fori_loop(0, RPS // 16, zcfill, 0)
        for k in range(CH // 16):
            ones_v[pl.ds(k * 16, 16)] = jnp.ones((16,), jnp.float32)

        base = sid * RPS
        for t in range(RPS // CH):
            pltpu.sync_copy(rows_v, acc_sh.at[pl.ds(base + t * CH, CH)])
        pltpu.sync_copy(zcnt_v, cnt_sh.at[pl.ds(base, RPS)])
        plsc.subcore_barrier()

        pltpu.sync_copy(src_hbm.at[wid], src_v)
        pltpu.sync_copy(dst_hbm.at[wid], dst_v)

        def step(j, carry):
            pltpu.async_copy(y_hbm.at[src_v.at[j]], rows_v, sem).wait()
            pltpu.sync_copy(rows_v, acc_sh.at[dst_v.at[j]], add=True)
            if with_cnt:
                pltpu.sync_copy(ones_v, cnt_sh.at[dst_v.at[j]], add=True)
            return carry
        lax.fori_loop(0, NCHUNK, step, 0)

        plsc.subcore_barrier()

        pltpu.sync_copy(acc_sh.at[pl.ds(base, RPS)],
                        sum_hbm.at[cid, pl.ds(base, RPS)])
        if with_cnt:
            pltpu.sync_copy(cnt_sh.at[pl.ds(base, RPS)],
                            cnt_hbm.at[cid, pl.ds(base, RPS)])

    return seg


_seg_with_cnt = _make_seg_kernel(True)
_seg_no_cnt = _make_seg_kernel(False)


def _lin1_body(x_ref, s_ref, c_ref, wl_ref, wr_ref, b_ref, h_ref, cnt_ref):
    cnt = jnp.maximum(c_ref[0] + c_ref[1], 1.0)
    agg = (s_ref[0] + s_ref[1]) / cnt[:, None]
    h = (jnp.dot(agg, wl_ref[...], preferred_element_type=jnp.float32)
         + jnp.dot(x_ref[...], wr_ref[...], preferred_element_type=jnp.float32)
         + b_ref[...][None, :])
    h_ref[...] = jnp.maximum(h, 0.0)
    cnt_ref[...] = cnt


def _lin2_body(x_ref, s_ref, cnt_ref, wl_ref, wr_ref, b_ref, o_ref):
    agg = (s_ref[0] + s_ref[1]) / cnt_ref[...][:, None]
    o_ref[...] = (jnp.dot(agg, wl_ref[...], preferred_element_type=jnp.float32)
                  + jnp.dot(x_ref[...], wr_ref[...],
                            preferred_element_type=jnp.float32)
                  + b_ref[...][None, :])


def _lin1(xp, s1p, c1p, WlT, WrT, b):
    return pl.pallas_call(
        _lin1_body,
        grid=(GRID,),
        in_specs=[
            pl.BlockSpec((BLK, D), lambda i: (i, 0)),
            pl.BlockSpec((NC, BLK, D), lambda i: (0, i, 0)),
            pl.BlockSpec((NC, BLK), lambda i: (0, i)),
            pl.BlockSpec((D, D), lambda i: (0, 0)),
            pl.BlockSpec((D, D), lambda i: (0, 0)),
            pl.BlockSpec((D,), lambda i: (0,)),
        ],
        out_specs=[
            pl.BlockSpec((BLK, D), lambda i: (i, 0)),
            pl.BlockSpec((BLK,), lambda i: (i,)),
        ],
        out_shape=[
            jax.ShapeDtypeStruct((NP, D), jnp.float32),
            jax.ShapeDtypeStruct((NP,), jnp.float32),
        ],
    )(xp, s1p, c1p, WlT, WrT, b)


def _lin2(h, s2p, cnt, WlT, WrT, b):
    return pl.pallas_call(
        _lin2_body,
        grid=(GRID,),
        in_specs=[
            pl.BlockSpec((BLK, D), lambda i: (i, 0)),
            pl.BlockSpec((NC, BLK, D), lambda i: (0, i, 0)),
            pl.BlockSpec((BLK,), lambda i: (i,)),
            pl.BlockSpec((D, D), lambda i: (0, 0)),
            pl.BlockSpec((D, D), lambda i: (0, 0)),
            pl.BlockSpec((D,), lambda i: (0,)),
        ],
        out_specs=pl.BlockSpec((BLK, D), lambda i: (i, 0)),
        out_shape=jax.ShapeDtypeStruct((NP, D), jnp.float32),
    )(h, s2p, cnt, WlT, WrT, b)


def kernel(x, edge_index, W1_l, W1_r, b1, W2_l, W2_r, b2):
    xp = jnp.zeros((NP, D), jnp.float32).at[:N].set(x)
    src3 = edge_index[0].reshape(NW, NCHUNK, CH)
    dst3 = edge_index[1].reshape(NW, NCHUNK, CH)

    s1p, c1p = _seg_with_cnt(xp, src3, dst3)
    h, cnt = _lin1(xp, s1p, c1p, W1_l.T, W1_r.T, b1)
    (s2p,) = _seg_no_cnt(h, src3, dst3)
    out = _lin2(h, s2p, cnt, W2_l.T, W2_r.T, b2)
    return out[:N]

# --- scband reference (transcript-rebuilt; emitter-appended) ---
"""Pipeline reference for scband-my-graph-model-9474697855312 (READ-ONLY COPY).

The authoritative reference and input builder live on the scoring server;
editing this copy changes nothing except your own understanding.
"""

import jax, jax.numpy as jnp
import numpy as np

N = 10000
E = 320000
D_IN = 128
D_HID = 128
D_OUT = 128


def setup_inputs(seed: int = 0) -> dict:
    key = jax.random.key(seed)
    ks = jax.random.split(key, 9)
    x = jax.random.normal(ks[0], (N, D_IN), dtype=jnp.float32)
    edge_index = jax.random.randint(ks[1], (2, E), 0, N, dtype=jnp.int32)
    s1 = 1.0 / np.sqrt(D_IN)
    s2 = 1.0 / np.sqrt(D_HID)
    W1_l = jax.random.uniform(ks[2], (D_HID, D_IN), jnp.float32, -s1, s1)
    W1_r = jax.random.uniform(ks[3], (D_HID, D_IN), jnp.float32, -s1, s1)
    b1 = jax.random.uniform(ks[4], (D_HID,), jnp.float32, -s1, s1)
    W2_l = jax.random.uniform(ks[5], (D_OUT, D_HID), jnp.float32, -s2, s2)
    W2_r = jax.random.uniform(ks[6], (D_OUT, D_HID), jnp.float32, -s2, s2)
    b2 = jax.random.uniform(ks[7], (D_OUT,), jnp.float32, -s2, s2)
    return {"x": x, "edge_index": edge_index, "W1_l": W1_l, "W1_r": W1_r, "b1": b1,
            "W2_l": W2_l, "W2_r": W2_r, "b2": b2}


def _sage_conv(x, src, dst, W_l, W_r, b):
    # PyG SAGEConv with mean aggregation:
    #   out_i = W_l @ mean_{j in N(i)} x_j + b + W_r @ x_i
    msg = jnp.take(x, src, axis=0)                      # gather source features
    agg_sum = jax.ops.segment_sum(msg, dst, num_segments=N)
    cnt = jax.ops.segment_sum(jnp.ones((msg.shape[0],), jnp.float32), dst, num_segments=N)
    agg = agg_sum / jnp.maximum(cnt, 1.0)[:, None]
    return agg @ W_l.T + b + x @ W_r.T


def reference(x, edge_index, W1_l, W1_r, b1, W2_l, W2_r, b2):
    src = edge_index[0]
    dst = edge_index[1]
    h = _sage_conv(x, src, dst, W1_l, W1_r, b1)
    h = jax.nn.relu(h)
    out = _sage_conv(h, src, dst, W2_l, W2_r, b2)
    return out

if __name__ == "__main__":
    import jax
    _d = setup_inputs()
    print(jax.jit(kernel)(*tuple(_d.values())))

</pallas_src>

<mosaic_0001>
#map = affine_map<(d0, d1) -> (0, 0)>
#map1 = affine_map<(d0, d1) -> (0, 0, 0)>
module attributes {stable_mosaic.version = 14 : i64} {
  func.func @seg(%arg0: i32, %arg1: i32, %arg2: memref<10240x128xf32, #tpu.memory_space<hbm>>, %arg3: memref<32x125x80xi32, #tpu.memory_space<hbm>>, %arg4: memref<32x125x80xi32, #tpu.memory_space<hbm>>, %arg5: memref<2x10240x128xf32, #tpu.memory_space<hbm>>, %arg6: memref<125x80xi32, #tpu.memory_space<vmem>>, %arg7: memref<125x80xi32, #tpu.memory_space<vmem>>, %arg8: memref<80x128xf32, #tpu.memory_space<vmem>>, %arg9: memref<80xf32, #tpu.memory_space<vmem>>, %arg10: memref<640xf32, #tpu.memory_space<vmem>>, %arg11: memref<10240x128xf32, #tpu.memory_space<vmem_shared>>, %arg12: memref<10240xf32, #tpu.memory_space<vmem_shared>>, %arg13: memref<!tpu.dma_semaphore, #tpu.memory_space<semaphore_mem>>) attributes {dimension_semantics = [#tpu.dimension_semantics<core_parallel>, #tpu.dimension_semantics<subcore_parallel>], iteration_bounds = array<i64: 2, 16>, scalar_prefetch = 0 : i64, scratch_operands = 8 : i64, tpu.core_type = #tpu.core_type<sc_vector_subcore>, window_params = [{transform_indices = #map}, {transform_indices = #map1}, {transform_indices = #map1}, {transform_indices = #map1}]} {
    %mul3A = arith.constant 2 : i32
    %mul3A_0 = arith.muli %arg1, %mul3A : i32
    %add3A = arith.addi %mul3A_0, %arg0 : i32
    %scan3A = arith.constant 0 : i32
    %scan3A_1 = arith.constant 0 : i32
    %scan3A_2 = arith.constant 80 : i32
    %scan3A_3 = arith.addi %scan3A_1, %scan3A_2 : i32
    %scan3A_4 = arith.constant 1 : i32
    scf.for %scan3A_65 = %scan3A_1 to %scan3A_3 step %scan3A_4  : i32 {
      %broadcast_in_dim3A_66 = arith.constant 0.000000e+00 : f32
      %broadcast_in_dim3A_67 = vector.broadcast %broadcast_in_dim3A_66 : f32 to vector<16xf32>
      %swap3A_68 = arith.index_cast %scan3A_65 : i32 to index
      %swap3A_69 = arith.constant 0 : index
      %swap3A_70 = tpu.vector_load %arg8[%swap3A_68, %swap3A_69] {strides = array<i32>} : memref<80x128xf32, #tpu.memory_space<vmem>>, vector<1x16xf32>,
      %swap3A_71 = vector.shape_cast %swap3A_70 : vector<1x16xf32> to vector<16xf32>
      %swap3A_72 = vector.shape_cast %broadcast_in_dim3A_67 : vector<16xf32> to vector<1x16xf32>
      tpu.vector_store %arg8[%swap3A_68, %swap3A_69], %swap3A_72 {strides = array<i32>} : memref<80x128xf32, #tpu.memory_space<vmem>>, vector<1x16xf32>,
      %broadcast_in_dim3A_73 = arith.constant 0.000000e+00 : f32
      %broadcast_in_dim3A_74 = vector.broadcast %broadcast_in_dim3A_73 : f32 to vector<16xf32>
      %swap3A_75 = arith.index_cast %scan3A_65 : i32 to index
      %swap3A_76 = arith.constant 16 : index
      %swap3A_77 = tpu.vector_load %arg8[%swap3A_75, %swap3A_76] {strides = array<i32>} : memref<80x128xf32, #tpu.memory_space<vmem>>, vector<1x16xf32>,
      %swap3A_78 = vector.shape_cast %swap3A_77 : vector<1x16xf32> to vector<16xf32>
      %swap3A_79 = vector.shape_cast %broadcast_in_dim3A_74 : vector<16xf32> to vector<1x16xf32>
      tpu.vector_store %arg8[%swap3A_75, %swap3A_76], %swap3A_79 {strides = array<i32>} : memref<80x128xf32, #tpu.memory_space<vmem>>, vector<1x16xf32>,
      %broadcast_in_dim3A_80 = arith.constant 0.000000e+00 : f32
      %broadcast_in_dim3A_81 = vector.broadcast %broadcast_in_dim3A_80 : f32 to vector<16xf32>
      %swap3A_82 = arith.index_cast %scan3A_65 : i32 to index
      %swap3A_83 = arith.constant 32 : index
      %swap3A_84 = tpu.vector_load %arg8[%swap3A_82, %swap3A_83] {strides = array<i32>} : memref<80x128xf32, #tpu.memory_space<vmem>>, vector<1x16xf32>,
      %swap3A_85 = vector.shape_cast %swap3A_84 : vector<1x16xf32> to vector<16xf32>
      %swap3A_86 = vector.shape_cast %broadcast_in_dim3A_81 : vector<16xf32> to vector<1x16xf32>
      tpu.vector_store %arg8[%swap3A_82, %swap3A_83], %swap3A_86 {strides = array<i32>} : memref<80x128xf32, #tpu.memory_space<vmem>>, vector<1x16xf32>,
      %broadcast_in_dim3A_87 = arith.constant 0.000000e+00 : f32
      %broadcast_in_dim3A_88 = vector.broadcast %broadcast_in_dim3A_87 : f32 to vector<16xf32>
      %swap3A_89 = arith.index_cast %scan3A_65 : i32 to index
      %swap3A_90 = arith.constant 48 : index
      %swap3A_91 = tpu.vector_load %arg8[%swap3A_89, %swap3A_90] {strides = array<i32>} : memref<80x128xf32, #tpu.memory_space<vmem>>, vector<1x16xf32>,
      %swap3A_92 = vector.shape_cast %swap3A_91 : vector<1x16xf32> to vector<16xf32>
      %swap3A_93 = vector.shape_cast %broadcast_in_dim3A_88 : vector<16xf32> to vector<1x16xf32>
      tpu.vector_store %arg8[%swap3A_89, %swap3A_90], %swap3A_93 {strides = array<i32>} : memref<80x128xf32, #tpu.memory_space<vmem>>, vector<1x16xf32>,
      %broadcast_in_dim3A_94 = arith.constant 0.000000e+00 : f32
      %broadcast_in_dim3A_95 = vector.broadcast %broadcast_in_dim3A_94 : f32 to vector<16xf32>
      %swap3A_96 = arith.index_cast %scan3A_65 : i32 to index
      %swap3A_97 = arith.constant 64 : index
      %swap3A_98 = tpu.vector_load %arg8[%swap3A_96, %swap3A_97] {strides = array<i32>} : memref<80x128xf32, #tpu.memory_space<vmem>>, vector<1x16xf32>,
      %swap3A_99 = vector.shape_cast %swap3A_98 : vector<1x16xf32> to vector<16xf32>
      %swap3A_100 = vector.shape_cast %broadcast_in_dim3A_95 : vector<16xf32> to vector<1x16xf32>
      tpu.vector_store %arg8[%swap3A_96, %swap3A_97], %swap3A_100 {strides = array<i32>} : memref<80x128xf32, #tpu.memory_space<vmem>>, vector<1x16xf32>,
      %broadcast_in_dim3A_101 = arith.constant 0.000000e+00 : f32
      %broadcast_in_dim3A_102 = vector.broadcast %broadcast_in_dim3A_101 : f32 to vector<16xf32>
      %swap3A_103 = arith.index_cast %scan3A_65 : i32 to index
      %swap3A_104 = arith.constant 80 : index
      %swap3A_105 = tpu.vector_load %arg8[%swap3A_103, %swap3A_104] {strides = array<i32>} : memref<80x128xf32, #tpu.memory_space<vmem>>, vector<1x16xf32>,
      %swap3A_106 = vector.shape_cast %swap3A_105 : vector<1x16xf32> to vector<16xf32>
      %swap3A_107 = vector.shape_cast %broadcast_in_dim3A_102 : vector<16xf32> to vector<1x16xf32>
      tpu.vector_store %arg8[%swap3A_103, %swap3A_104], %swap3A_107 {strides = array<i32>} : memref<80x128xf32, #tpu.memory_space<vmem>>, vector<1x16xf32>,
      %broadcast_in_dim3A_108 = arith.constant 0.000000e+00 : f32
      %broadcast_in_dim3A_109 = vector.broadcast %broadcast_in_dim3A_108 : f32 to vector<16xf32>
      %swap3A_110 = arith.index_cast %scan3A_65 : i32 to index
      %swap3A_111 = arith.constant 96 : index
      %swap3A_112 = tpu.vector_load %arg8[%swap3A_110, %swap3A_111] {strides = array<i32>} : memref<80x128xf32, #tpu.memory_space<vmem>>, vector<1x16xf32>,
      %swap3A_113 = vector.shape_cast %swap3A_112 : vector<1x16xf32> to vector<16xf32>
      %swap3A_114 = vector.shape_cast %broadcast_in_dim3A_109 : vector<16xf32> to vector<1x16xf32>
      tpu.vector_store %arg8[%swap3A_110, %swap3A_111], %swap3A_114 {strides = array<i32>} : memref<80x128xf32, #tpu.memory_space<vmem>>, vector<1x16xf32>,
      %broadcast_in_dim3A_115 = arith.constant 0.000000e+00 : f32
      %broadcast_in_dim3A_116 = vector.broadcast %broadcast_in_dim3A_115 : f32 to vector<16xf32>
      %swap3A_117 = arith.index_cast %scan3A_65 : i32 to index
      %swap3A_118 = arith.constant 112 : index
      %swap3A_119 = tpu.vector_load %arg8[%swap3A_117, %swap3A_118] {strides = array<i32>} : memref<80x128xf32, #tpu.memory_space<vmem>>, vector<1x16xf32>,
      %swap3A_120 = vector.shape_cast %swap3A_119 : vector<1x16xf32> to vector<16xf32>
      %swap3A_121 = vector.shape_cast %broadcast_in_dim3A_116 : vector<16xf32> to vector<1x16xf32>
      tpu.vector_store %arg8[%swap3A_117, %swap3A_118], %swap3A_121 {strides = array<i32>} : memref<80x128xf32, #tpu.memory_space<vmem>>, vector<1x16xf32>,
    }
    %scan3A_5 = arith.constant 80 : i32
    %scan3A_6 = arith.constant 0 : i32
    %scan3A_7 = arith.constant 0 : i32
    %scan3A_8 = arith.constant 40 : i32
    %scan3A_9 = arith.addi %scan3A_7, %scan3A_8 : i32
    %scan3A_10 = arith.constant 1 : i32
    scf.for %scan3A_65 = %scan3A_7 to %scan3A_9 step %scan3A_10  : i32 {
      %broadcast_in_dim3A_66 = arith.constant 0.000000e+00 : f32
      %broadcast_in_dim3A_67 = vector.broadcast %broadcast_in_dim3A_66 : f32 to vector<16xf32>
      %mul3A_68 = arith.constant 16 : i32
      %mul3A_69 = arith.muli %scan3A_65, %mul3A_68 : i32
      %swap3A_70 = arith.index_cast %mul3A_69 : i32 to index
      %swap3A_71 = tpu.vector_load %arg10[%swap3A_70] {strides = array<i32>} : memref<640xf32, #tpu.memory_space<vmem>>, vector<16xf32>,
      %swap3A_72 = vector.shape_cast %swap3A_71 : vector<16xf32> to vector<16xf32>
      %swap3A_73 = vector.shape_cast %broadcast_in_dim3A_67 : vector<16xf32> to vector<16xf32>
      tpu.vector_store %arg10[%swap3A_70], %swap3A_73 {strides = array<i32>} : memref<640xf32, #tpu.memory_space<vmem>>, vector<16xf32>,
    }
    %scan3A_11 = arith.constant 40 : i32
    %broadcast_in_dim3A = arith.constant 1.000000e+00 : f32
    %broadcast_in_dim3A_12 = vector.broadcast %broadcast_in_dim3A : f32 to vector<16xf32>
    %swap3A = arith.constant 0 : index
    %swap3A_13 = tpu.vector_load %arg9[%swap3A] {strides = array<i32>} : memref<80xf32, #tpu.memory_space<vmem>>, vector<16xf32>,
    %swap3A_14 = vector.shape_cast %swap3A_13 : vector<16xf32> to vector<16xf32>
    %swap3A_15 = vector.shape_cast %broadcast_in_dim3A_12 : vector<16xf32> to vector<16xf32>
    tpu.vector_store %arg9[%swap3A], %swap3A_15 {strides = array<i32>} : memref<80xf32, #tpu.memory_space<vmem>>, vector<16xf32>,
    %broadcast_in_dim3A_16 = arith.constant 1.000000e+00 : f32
    %broadcast_in_dim3A_17 = vector.broadcast %broadcast_in_dim3A_16 : f32 to vector<16xf32>
    %swap3A_18 = arith.constant 16 : index
    %swap3A_19 = tpu.vector_load %arg9[%swap3A_18] {strides = array<i32>} : memref<80xf32, #tpu.memory_space<vmem>>, vector<16xf32>,
    %swap3A_20 = vector.shape_cast %swap3A_19 : vector<16xf32> to vector<16xf32>
    %swap3A_21 = vector.shape_cast %broadcast_in_dim3A_17 : vector<16xf32> to vector<16xf32>
    tpu.vector_store %arg9[%swap3A_18], %swap3A_21 {strides = array<i32>} : memref<80xf32, #tpu.memory_space<vmem>>, vector<16xf32>,
    %broadcast_in_dim3A_22 = arith.constant 1.000000e+00 : f32
    %broadcast_in_dim3A_23 = vector.broadcast %broadcast_in_dim3A_22 : f32 to vector<16xf32>
    %swap3A_24 = arith.constant 32 : index
    %swap3A_25 = tpu.vector_load %arg9[%swap3A_24] {strides = array<i32>} : memref<80xf32, #tpu.memory_space<vmem>>, vector<16xf32>,
    %swap3A_26 = vector.shape_cast %swap3A_25 : vector<16xf32> to vector<16xf32>
    %swap3A_27 = vector.shape_cast %broadcast_in_dim3A_23 : vector<16xf32> to vector<16xf32>
    tpu.vector_store %arg9[%swap3A_24], %swap3A_27 {strides = array<i32>} : memref<80xf32, #tpu.memory_space<vmem>>, vector<16xf32>,
    %broadcast_in_dim3A_28 = arith.constant 1.000000e+00 : f32
    %broadcast_in_dim3A_29 = vector.broadcast %broadcast_in_dim3A_28 : f32 to vector<16xf32>
    %swap3A_30 = arith.constant 48 : index
    %swap3A_31 = tpu.vector_load %arg9[%swap3A_30] {strides = array<i32>} : memref<80xf32, #tpu.memory_space<vmem>>, vector<16xf32>,
    %swap3A_32 = vector.shape_cast %swap3A_31 : vector<16xf32> to vector<16xf32>
    %swap3A_33 = vector.shape_cast %broadcast_in_dim3A_29 : vector<16xf32> to vector<16xf32>
    tpu.vector_store %arg9[%swap3A_30], %swap3A_33 {strides = array<i32>} : memref<80xf32, #tpu.memory_space<vmem>>, vector<16xf32>,
    %broadcast_in_dim3A_34 = arith.constant 1.000000e+00 : f32
    %broadcast_in_dim3A_35 = vector.broadcast %broadcast_in_dim3A_34 : f32 to vector<16xf32>
    %swap3A_36 = arith.constant 64 : index
    %swap3A_37 = tpu.vector_load %arg9[%swap3A_36] {strides = array<i32>} : memref<80xf32, #tpu.memory_space<vmem>>, vector<16xf32>,
    %swap3A_38 = vector.shape_cast %swap3A_37 : vector<16xf32> to vector<16xf32>
    %swap3A_39 = vector.shape_cast %broadcast_in_dim3A_35 : vector<16xf32> to vector<16xf32>
    tpu.vector_store %arg9[%swap3A_36], %swap3A_39 {strides = array<i32>} : memref<80xf32, #tpu.memory_space<vmem>>, vector<16xf32>,
    %mul3A_40 = arith.constant 640 : i32
    %mul3A_41 = arith.muli %arg1, %mul3A_40 : i32
    %add3A_42 = arith.constant 0 : i32
    %add3A_43 = arith.addi %mul3A_41, %add3A_42 : i32
    "tpu.region"() ({
      %run_scoped3A = tpu.sem_alloc : memref<!tpu.dma_semaphore, #tpu.memory_space<semaphore_mem>>
      %dma_start3A = arith.constant 0 : i32
      %dma_start3A_65 = tpu.memref_slice %arg11[%add3A_43, %dma_start3A] : memref<10240x128xf32, #tpu.memory_space<vmem_shared>> -> memref<80x128xf32, #tpu.memory_space<vmem_shared>>
      %dma_start3A_66 = arith.constant 0 : i32
      %dma_start3A_67 = tpu.memref_slice %arg11[%add3A_43, %dma_start3A_66] : memref<10240x128xf32, #tpu.memory_space<vmem_shared>> -> memref<80x128xf32, #tpu.memory_space<vmem_shared>>
      tpu.enqueue_dma source(%arg8 : memref<80x128xf32, #tpu.memory_space<vmem>>) target(%dma_start3A_67 : memref<80x128xf32, #tpu.memory_space<vmem_shared>>) target_semaphore(%run_scoped3A : memref<!tpu.dma_semaphore, #tpu.memory_space<semaphore_mem>>)
      %dma_wait3A = arith.constant 0 : i32
      %dma_wait3A_68 = tpu.memref_slice %arg11[%add3A_43, %dma_wait3A] : memref<10240x128xf32, #tpu.memory_space<vmem_shared>> -> memref<80x128xf32, #tpu.memory_space<vmem_shared>>
      %dma_wait3A_69 = arith.constant 0 : i32
      %dma_wait3A_70 = tpu.memref_slice %arg11[%add3A_43, %dma_wait3A_69] : memref<10240x128xf32, #tpu.memory_space<vmem_shared>> -> memref<80x128xf32, #tpu.memory_space<vmem_shared>>
      tpu.wait_dma2 semaphore(%run_scoped3A : memref<!tpu.dma_semaphore, #tpu.memory_space<semaphore_mem>>) src(%arg8 : memref<80x128xf32, #tpu.memory_space<vmem>>) dst(%dma_wait3A_70 : memref<80x128xf32, #tpu.memory_space<vmem_shared>>)
      tpu.yield
    }) : () -> ()
    %add3A_44 = arith.constant 80 : i32
    %add3A_45 = arith.addi %mul3A_41, %add3A_44 : i32
    "tpu.region"() ({
      %run_scoped3A = tpu.sem_alloc : memref<!tpu.dma_semaphore, #tpu.memory_space<semaphore_mem>>
      %dma_start3A = arith.constant 0 : i32
      %dma_start3A_65 = tpu.memref_slice %arg11[%add3A_45, %dma_start3A] : memref<10240x128xf32, #tpu.memory_space<vmem_shared>> -> memref<80x128xf32, #tpu.memory_space<vmem_shared>>
      %dma_start3A_66 = arith.constant 0 : i32
      %dma_start3A_67 = tpu.memref_slice %arg11[%add3A_45, %dma_start3A_66] : memref<10240x128xf32, #tpu.memory_space<vmem_shared>> -> memref<80x128xf32, #tpu.memory_space<vmem_shared>>
      tpu.enqueue_dma source(%arg8 : memref<80x128xf32, #tpu.memory_space<vmem>>) target(%dma_start3A_67 : memref<80x128xf32, #tpu.memory_space<vmem_shared>>) target_semaphore(%run_scoped3A : memref<!tpu.dma_semaphore, #tpu.memory_space<semaphore_mem>>)
      %dma_wait3A = arith.constant 0 : i32
      %dma_wait3A_68 = tpu.memref_slice %arg11[%add3A_45, %dma_wait3A] : memref<10240x128xf32, #tpu.memory_space<vmem_shared>> -> memref<80x128xf32, #tpu.memory_space<vmem_shared>>
      %dma_wait3A_69 = arith.constant 0 : i32
      %dma_wait3A_70 = tpu.memref_slice %arg11[%add3A_45, %dma_wait3A_69] : memref<10240x128xf32, #tpu.memory_space<vmem_shared>> -> memref<80x128xf32, #tpu.memory_space<vmem_shared>>
      tpu.wait_dma2 semaphore(%run_scoped3A : memref<!tpu.dma_semaphore, #tpu.memory_space<semaphore_mem>>) src(%arg8 : memref<80x128xf32, #tpu.memory_space<vmem>>) dst(%dma_wait3A_70 : memref<80x128xf32, #tpu.memory_space<vmem_shared>>)
      tpu.yield
    }) : () -> ()
    %add3A_46 = arith.constant 160 : i32
    %add3A_47 = arith.addi %mul3A_41, %add3A_46 : i32
    "tpu.region"() ({
      %run_scoped3A = tpu.sem_alloc : memref<!tpu.dma_semaphore, #tpu.memory_space<semaphore_mem>>
      %dma_start3A = arith.constant 0 : i32
      %dma_start3A_65 = tpu.memref_slice %arg11[%add3A_47, %dma_start3A] : memref<10240x128xf32, #tpu.memory_space<vmem_shared>> -> memref<80x128xf32, #tpu.memory_space<vmem_shared>>
      %dma_start3A_66 = arith.constant 0 : i32
      %dma_start3A_67 = tpu.memref_slice %arg11[%add3A_47, %dma_start3A_66] : memref<10240x128xf32, #tpu.memory_space<vmem_shared>> -> memref<80x128xf32, #tpu.memory_space<vmem_shared>>
      tpu.enqueue_dma source(%arg8 : memref<80x128xf32, #tpu.memory_space<vmem>>) target(%dma_start3A_67 : memref<80x128xf32, #tpu.memory_space<vmem_shared>>) target_semaphore(%run_scoped3A : memref<!tpu.dma_semaphore, #tpu.memory_space<semaphore_mem>>)
      %dma_wait3A = arith.constant 0 : i32
      %dma_wait3A_68 = tpu.memref_slice %arg11[%add3A_47, %dma_wait3A] : memref<10240x128xf32, #tpu.memory_space<vmem_shared>> -> memref<80x128xf32, #tpu.memory_space<vmem_shared>>
      %dma_wait3A_69 = arith.constant 0 : i32
      %dma_wait3A_70 = tpu.memref_slice %arg11[%add3A_47, %dma_wait3A_69] : memref<10240x128xf32, #tpu.memory_space<vmem_shared>> -> memref<80x128xf32, #tpu.memory_space<vmem_shared>>
      tpu.wait_dma2 semaphore(%run_scoped3A : memref<!tpu.dma_semaphore, #tpu.memory_space<semaphore_mem>>) src(%arg8 : memref<80x128xf32, #tpu.memory_space<vmem>>) dst(%dma_wait3A_70 : memref<80x128xf32, #tpu.memory_space<vmem_shared>>)
      tpu.yield
    }) : () -> ()
    %add3A_48 = arith.constant 240 : i32
    %add3A_49 = arith.addi %mul3A_41, %add3A_48 : i32
    "tpu.region"() ({
      %run_scoped3A = tpu.sem_alloc : memref<!tpu.dma_semaphore, #tpu.memory_space<semaphore_mem>>
      %dma_start3A = arith.constant 0 : i32
      %dma_start3A_65 = tpu.memref_slice %arg11[%add3A_49, %dma_start3A] : memref<10240x128xf32, #tpu.memory_space<vmem_shared>> -> memref<80x128xf32, #tpu.memory_space<vmem_shared>>
      %dma_start3A_66 = arith.constant 0 : i32
      %dma_start3A_67 = tpu.memref_slice %arg11[%add3A_49, %dma_start3A_66] : memref<10240x128xf32, #tpu.memory_space<vmem_shared>> -> memref<80x128xf32, #tpu.memory_space<vmem_shared>>
      tpu.enqueue_dma source(%arg8 : memref<80x128xf32, #tpu.memory_space<vmem>>) target(%dma_start3A_67 : memref<80x128xf32, #tpu.memory_space<vmem_shared>>) target_semaphore(%run_scoped3A : memref<!tpu.dma_semaphore, #tpu.memory_space<semaphore_mem>>)
      %dma_wait3A = arith.constant 0 : i32
      %dma_wait3A_68 = tpu.memref_slice %arg11[%add3A_49, %dma_wait3A] : memref<10240x128xf32, #tpu.memory_space<vmem_shared>> -> memref<80x128xf32, #tpu.memory_space<vmem_shared>>
      %dma_wait3A_69 = arith.constant 0 : i32
      %dma_wait3A_70 = tpu.memref_slice %arg11[%add3A_49, %dma_wait3A_69] : memref<10240x128xf32, #tpu.memory_space<vmem_shared>> -> memref<80x128xf32, #tpu.memory_space<vmem_shared>>
      tpu.wait_dma2 semaphore(%run_scoped3A : memref<!tpu.dma_semaphore, #tpu.memory_space<semaphore_mem>>) src(%arg8 : memref<80x128xf32, #tpu.memory_space<vmem>>) dst(%dma_wait3A_70 : memref<80x128xf32, #tpu.memory_space<vmem_shared>>)
      tpu.yield
    }) : () -> ()
    %add3A_50 = arith.constant 320 : i32
    %add3A_51 = arith.addi %mul3A_41, %add3A_50 : i32
    "tpu.region"() ({
      %run_scoped3A = tpu.sem_alloc : memref<!tpu.dma_semaphore, #tpu.memory_space<semaphore_mem>>
      %dma_start3A = arith.constant 0 : i32
      %dma_start3A_65 = tpu.memref_slice %arg11[%add3A_51, %dma_start3A] : memref<10240x128xf32, #tpu.memory_space<vmem_shared>> -> memref<80x128xf32, #tpu.memory_space<vmem_shared>>
      %dma_start3A_66 = arith.constant 0 : i32
      %dma_start3A_67 = tpu.memref_slice %arg11[%add3A_51, %dma_start3A_66] : memref<10240x128xf32, #tpu.memory_space<vmem_shared>> -> memref<80x128xf32, #tpu.memory_space<vmem_shared>>
      tpu.enqueue_dma source(%arg8 : memref<80x128xf32, #tpu.memory_space<vmem>>) target(%dma_start3A_67 : memref<80x128xf32, #tpu.memory_space<vmem_shared>>) target_semaphore(%run_scoped3A : memref<!tpu.dma_semaphore, #tpu.memory_space<semaphore_mem>>)
      %dma_wait3A = arith.constant 0 : i32
      %dma_wait3A_68 = tpu.memref_slice %arg11[%add3A_51, %dma_wait3A] : memref<10240x128xf32, #tpu.memory_space<vmem_shared>> -> memref<80x128xf32, #tpu.memory_space<vmem_shared>>
      %dma_wait3A_69 = arith.constant 0 : i32
      %dma_wait3A_70 = tpu.memref_slice %arg11[%add3A_51, %dma_wait3A_69] : memref<10240x128xf32, #tpu.memory_space<vmem_shared>> -> memref<80x128xf32, #tpu.memory_space<vmem_shared>>
      tpu.wait_dma2 semaphore(%run_scoped3A : memref<!tpu.dma_semaphore, #tpu.memory_space<semaphore_mem>>) src(%arg8 : memref<80x128xf32, #tpu.memory_space<vmem>>) dst(%dma_wait3A_70 : memref<80x128xf32, #tpu.memory_space<vmem_shared>>)
      tpu.yield
    }) : () -> ()
    %add3A_52 = arith.constant 400 : i32
    %add3A_53 = arith.addi %mul3A_41, %add3A_52 : i32
    "tpu.region"() ({
      %run_scoped3A = tpu.sem_alloc : memref<!tpu.dma_semaphore, #tpu.memory_space<semaphore_mem>>
      %dma_start3A = arith.constant 0 : i32
      %dma_start3A_65 = tpu.memref_slice %arg11[%add3A_53, %dma_start3A] : memref<10240x128xf32, #tpu.memory_space<vmem_shared>> -> memref<80x128xf32, #tpu.memory_space<vmem_shared>>
      %dma_start3A_66 = arith.constant 0 : i32
      %dma_start3A_67 = tpu.memref_slice %arg11[%add3A_53, %dma_start3A_66] : memref<10240x128xf32, #tpu.memory_space<vmem_shared>> -> memref<80x128xf32, #tpu.memory_space<vmem_shared>>
      tpu.enqueue_dma source(%arg8 : memref<80x128xf32, #tpu.memory_space<vmem>>) target(%dma_start3A_67 : memref<80x128xf32, #tpu.memory_space<vmem_shared>>) target_semaphore(%run_scoped3A : memref<!tpu.dma_semaphore, #tpu.memory_space<semaphore_mem>>)
      %dma_wait3A = arith.constant 0 : i32
      %dma_wait3A_68 = tpu.memref_slice %arg11[%add3A_53, %dma_wait3A] : memref<10240x128xf32, #tpu.memory_space<vmem_shared>> -> memref<80x128xf32, #tpu.memory_space<vmem_shared>>
      %dma_wait3A_69 = arith.constant 0 : i32
      %dma_wait3A_70 = tpu.memref_slice %arg11[%add3A_53, %dma_wait3A_69] : memref<10240x128xf32, #tpu.memory_space<vmem_shared>> -> memref<80x128xf32, #tpu.memory_space<vmem_shared>>
      tpu.wait_dma2 semaphore(%run_scoped3A : memref<!tpu.dma_semaphore, #tpu.memory_space<semaphore_mem>>) src(%arg8 : memref<80x128xf32, #tpu.memory_space<vmem>>) dst(%dma_wait3A_70 : memref<80x128xf32, #tpu.memory_space<vmem_shared>>)
      tpu.yield
    }) : () -> ()
    %add3A_54 = arith.constant 480 : i32
    %add3A_55 = arith.addi %mul3A_41, %add3A_54 : i32
    "tpu.region"() ({
      %run_scoped3A = tpu.sem_alloc : memref<!tpu.dma_semaphore, #tpu.memory_space<semaphore_mem>>
      %dma_start3A = arith.constant 0 : i32
      %dma_start3A_65 = tpu.memref_slice %arg11[%add3A_55, %dma_start3A] : memref<10240x128xf32, #tpu.memory_space<vmem_shared>> -> memref<80x128xf32, #tpu.memory_space<vmem_shared>>
      %dma_start3A_66 = arith.constant 0 : i32
      %dma_start3A_67 = tpu.memref_slice %arg11[%add3A_55, %dma_start3A_66] : memref<10240x128xf32, #tpu.memory_space<vmem_shared>> -> memref<80x128xf32, #tpu.memory_space<vmem_shared>>
      tpu.enqueue_dma source(%arg8 : memref<80x128xf32, #tpu.memory_space<vmem>>) target(%dma_start3A_67 : memref<80x128xf32, #tpu.memory_space<vmem_shared>>) target_semaphore(%run_scoped3A : memref<!tpu.dma_semaphore, #tpu.memory_space<semaphore_mem>>)
      %dma_wait3A = arith.constant 0 : i32
      %dma_wait3A_68 = tpu.memref_slice %arg11[%add3A_55, %dma_wait3A] : memref<10240x128xf32, #tpu.memory_space<vmem_shared>> -> memref<80x128xf32, #tpu.memory_space<vmem_shared>>
      %dma_wait3A_69 = arith.constant 0 : i32
      %dma_wait3A_70 = tpu.memref_slice %arg11[%add3A_55, %dma_wait3A_69] : memref<10240x128xf32, #tpu.memory_space<vmem_shared>> -> memref<80x128xf32, #tpu.memory_space<vmem_shared>>
      tpu.wait_dma2 semaphore(%run_scoped3A : memref<!tpu.dma_semaphore, #tpu.memory_space<semaphore_mem>>) src(%arg8 : memref<80x128xf32, #tpu.memory_space<vmem>>) dst(%dma_wait3A_70 : memref<80x128xf32, #tpu.memory_space<vmem_shared>>)
      tpu.yield
    }) : () -> ()
    %add3A_56 = arith.constant 560 : i32
    %add3A_57 = arith.addi %mul3A_41, %add3A_56 : i32
    "tpu.region"() ({
      %run_scoped3A = tpu.sem_alloc : memref<!tpu.dma_semaphore, #tpu.memory_space<semaphore_mem>>
      %dma_start3A = arith.constant 0 : i32
      %dma_start3A_65 = tpu.memref_slice %arg11[%add3A_57, %dma_start3A] : memref<10240x128xf32, #tpu.memory_space<vmem_shared>> -> memref<80x128xf32, #tpu.memory_space<vmem_shared>>
      %dma_start3A_66 = arith.constant 0 : i32
      %dma_start3A_67 = tpu.memref_slice %arg11[%add3A_57, %dma_start3A_66] : memref<10240x128xf32, #tpu.memory_space<vmem_shared>> -> memref<80x128xf32, #tpu.memory_space<vmem_shared>>
      tpu.enqueue_dma source(%arg8 : memref<80x128xf32, #tpu.memory_space<vmem>>) target(%dma_start3A_67 : memref<80x128xf32, #tpu.memory_space<vmem_shared>>) target_semaphore(%run_scoped3A : memref<!tpu.dma_semaphore, #tpu.memory_space<semaphore_mem>>)
      %dma_wait3A = arith.constant 0 : i32
      %dma_wait3A_68 = tpu.memref_slice %arg11[%add3A_57, %dma_wait3A] : memref<10240x128xf32, #tpu.memory_space<vmem_shared>> -> memref<80x128xf32, #tpu.memory_space<vmem_shared>>
      %dma_wait3A_69 = arith.constant 0 : i32
      %dma_wait3A_70 = tpu.memref_slice %arg11[%add3A_57, %dma_wait3A_69] : memref<10240x128xf32, #tpu.memory_space<vmem_shared>> -> memref<80x128xf32, #tpu.memory_space<vmem_shared>>
      tpu.wait_dma2 semaphore(%run_scoped3A : memref<!tpu.dma_semaphore, #tpu.memory_space<semaphore_mem>>) src(%arg8 : memref<80x128xf32, #tpu.memory_space<vmem>>) dst(%dma_wait3A_70 : memref<80x128xf32, #tpu.memory_space<vmem_shared>>)
      tpu.yield
    }) : () -> ()
    "tpu.region"() ({
      %run_scoped3A = tpu.sem_alloc : memref<!tpu.dma_semaphore, #tpu.memory_space<semaphore_mem>>
      %dma_start3A = tpu.memref_slice %arg12[%mul3A_41] : memref<10240xf32, #tpu.memory_space<vmem_shared>> -> memref<640xf32, #tpu.memory_space<vmem_shared>>
      %dma_start3A_65 = tpu.memref_slice %arg12[%mul3A_41] : memref<10240xf32, #tpu.memory_space<vmem_shared>> -> memref<640xf32, #tpu.memory_space<vmem_shared>>
      tpu.enqueue_dma source(%arg10 : memref<640xf32, #tpu.memory_space<vmem>>) target(%dma_start3A_65 : memref<640xf32, #tpu.memory_space<vmem_shared>>) target_semaphore(%run_scoped3A : memref<!tpu.dma_semaphore, #tpu.memory_space<semaphore_mem>>)
      %dma_wait3A = tpu.memref_slice %arg12[%mul3A_41] : memref<10240xf32, #tpu.memory_space<vmem_shared>> -> memref<640xf32, #tpu.memory_space<vmem_shared>>
      %dma_wait3A_66 = tpu.memref_slice %arg12[%mul3A_41] : memref<10240xf32, #tpu.memory_space<vmem_shared>> -> memref<640xf32, #tpu.memory_space<vmem_shared>>
      tpu.wait_dma2 semaphore(%run_scoped3A : memref<!tpu.dma_semaphore, #tpu.memory_space<semaphore_mem>>) src(%arg10 : memref<640xf32, #tpu.memory_space<vmem>>) dst(%dma_wait3A_66 : memref<640xf32, #tpu.memory_space<vmem_shared>>)
      tpu.yield
    }) : () -> ()
    %barrier3A = arith.constant 0 : index
    tpu.barrier barrier_id(%barrier3A)
    "tpu.region"() ({
      %run_scoped3A = tpu.sem_alloc : memref<!tpu.dma_semaphore, #tpu.memory_space<semaphore_mem>>
      %dma_start3A = arith.constant 0 : i32
      %dma_start3A_65 = arith.constant 0 : i32
      %dma_start3A_66 = tpu.memref_slice %arg3[%add3A, %dma_start3A, %dma_start3A_65] : memref<32x125x80xi32, #tpu.memory_space<hbm>> -> memref<1x125x80xi32, #tpu.memory_space<hbm>>
      %dma_start3A_67 = tpu.memref_squeeze %dma_start3A_66 : memref<1x125x80xi32, #tpu.memory_space<hbm>> -> memref<125x80xi32, #tpu.memory_space<hbm>>
      %dma_start3A_68 = arith.constant 0 : i32
      %dma_start3A_69 = arith.constant 0 : i32
      %dma_start3A_70 = tpu.memref_slice %arg3[%add3A, %dma_start3A_68, %dma_start3A_69] : memref<32x125x80xi32, #tpu.memory_space<hbm>> -> memref<1x125x80xi32, #tpu.memory_space<hbm>>
      %dma_start3A_71 = tpu.memref_squeeze %dma_start3A_70 : memref<1x125x80xi32, #tpu.memory_space<hbm>> -> memref<125x80xi32, #tpu.memory_space<hbm>>
      tpu.enqueue_dma source(%dma_start3A_71 : memref<125x80xi32, #tpu.memory_space<hbm>>) target(%arg6 : memref<125x80xi32, #tpu.memory_space<vmem>>) target_semaphore(%run_scoped3A : memref<!tpu.dma_semaphore, #tpu.memory_space<semaphore_mem>>)
      %dma_wait3A = arith.constant 0 : i32
      %dma_wait3A_72 = arith.constant 0 : i32
      %dma_wait3A_73 = tpu.memref_slice %arg3[%add3A, %dma_wait3A, %dma_wait3A_72] : memref<32x125x80xi32, #tpu.memory_space<hbm>> -> memref<1x125x80xi32, #tpu.memory_space<hbm>>
      %dma_wait3A_74 = tpu.memref_squeeze %dma_wait3A_73 : memref<1x125x80xi32, #tpu.memory_space<hbm>> -> memref<125x80xi32, #tpu.memory_space<hbm>>
      %dma_wait3A_75 = arith.constant 0 : i32
      %dma_wait3A_76 = arith.constant 0 : i32
      %dma_wait3A_77 = tpu.memref_slice %arg3[%add3A, %dma_wait3A_75, %dma_wait3A_76] : memref<32x125x80xi32, #tpu.memory_space<hbm>> -> memref<1x125x80xi32, #tpu.memory_space<hbm>>
      %dma_wait3A_78 = tpu.memref_squeeze %dma_wait3A_77 : memref<1x125x80xi32, #tpu.memory_space<hbm>> -> memref<125x80xi32, #tpu.memory_space<hbm>>
      tpu.wait_dma2 semaphore(%run_scoped3A : memref<!tpu.dma_semaphore, #tpu.memory_space<semaphore_mem>>) src(%dma_wait3A_78 : memref<125x80xi32, #tpu.memory_space<hbm>>) dst(%arg6 : memref<125x80xi32, #tpu.memory_space<vmem>>)
      tpu.yield
    }) : () -> ()
    "tpu.region"() ({
      %run_scoped3A = tpu.sem_alloc : memref<!tpu.dma_semaphore, #tpu.memory_space<semaphore_mem>>
      %dma_start3A = arith.constant 0 : i32
      %dma_start3A_65 = arith.constant 0 : i32
      %dma_start3A_66 = tpu.memref_slice %arg4[%add3A, %dma_start3A, %dma_start3A_65] : memref<32x125x80xi32, #tpu.memory_space<hbm>> -> memref<1x125x80xi32, #tpu.memory_space<hbm>>
      %dma_start3A_67 = tpu.memref_squeeze %dma_start3A_66 : memref<1x125x80xi32, #tpu.memory_space<hbm>> -> memref<125x80xi32, #tpu.memory_space<hbm>>
      %dma_start3A_68 = arith.constant 0 : i32
      %dma_start3A_69 = arith.constant 0 : i32
      %dma_start3A_70 = tpu.memref_slice %arg4[%add3A, %dma_start3A_68, %dma_start3A_69] : memref<32x125x80xi32, #tpu.memory_space<hbm>> -> memref<1x125x80xi32, #tpu.memory_space<hbm>>
      %dma_start3A_71 = tpu.memref_squeeze %dma_start3A_70 : memref<1x125x80xi32, #tpu.memory_space<hbm>> -> memref<125x80xi32, #tpu.memory_space<hbm>>
      tpu.enqueue_dma source(%dma_start3A_71 : memref<125x80xi32, #tpu.memory_space<hbm>>) target(%arg7 : memref<125x80xi32, #tpu.memory_space<vmem>>) target_semaphore(%run_scoped3A : memref<!tpu.dma_semaphore, #tpu.memory_space<semaphore_mem>>)
      %dma_wait3A = arith.constant 0 : i32
      %dma_wait3A_72 = arith.constant 0 : i32
      %dma_wait3A_73 = tpu.memref_slice %arg4[%add3A, %dma_wait3A, %dma_wait3A_72] : memref<32x125x80xi32, #tpu.memory_space<hbm>> -> memref<1x125x80xi32, #tpu.memory_space<hbm>>
      %dma_wait3A_74 = tpu.memref_squeeze %dma_wait3A_73 : memref<1x125x80xi32, #tpu.memory_space<hbm>> -> memref<125x80xi32, #tpu.memory_space<hbm>>
      %dma_wait3A_75 = arith.constant 0 : i32
      %dma_wait3A_76 = arith.constant 0 : i32
      %dma_wait3A_77 = tpu.memref_slice %arg4[%add3A, %dma_wait3A_75, %dma_wait3A_76] : memref<32x125x80xi32, #tpu.memory_space<hbm>> -> memref<1x125x80xi32, #tpu.memory_space<hbm>>
      %dma_wait3A_78 = tpu.memref_squeeze %dma_wait3A_77 : memref<1x125x80xi32, #tpu.memory_space<hbm>> -> memref<125x80xi32, #tpu.memory_space<hbm>>
      tpu.wait_dma2 semaphore(%run_scoped3A : memref<!tpu.dma_semaphore, #tpu.memory_space<semaphore_mem>>) src(%dma_wait3A_78 : memref<125x80xi32, #tpu.memory_space<hbm>>) dst(%arg7 : memref<125x80xi32, #tpu.memory_space<vmem>>)
      tpu.yield
    }) : () -> ()
    %scan3A_58 = arith.constant 0 : i32
    %scan3A_59 = arith.constant 0 : i32
    %scan3A_60 = arith.constant 125 : i32
    %scan3A_61 = arith.addi %scan3A_59, %scan3A_60 : i32
    %scan3A_62 = arith.constant 1 : i32
    scf.for %scan3A_65 = %scan3A_59 to %scan3A_61 step %scan3A_62  : i32 {
      %dma_start3A = arith.constant 0 : i32
      %dma_start3A_66 = tpu.memref_slice %arg6[%scan3A_65, %dma_start3A] : memref<125x80xi32, #tpu.memory_space<vmem>> -> memref<1x80xi32, #tpu.memory_space<vmem>>
      %dma_start3A_67 = tpu.memref_squeeze %dma_start3A_66 : memref<1x80xi32, #tpu.memory_space<vmem>> -> memref<80xi32, #tpu.memory_space<vmem>>
      %dma_start3A_68 = arith.constant 0 : i32
      %dma_start3A_69 = arith.constant 0 : i32
      %dma_start3A_70 = tpu.memref_slice %arg2[%dma_start3A_68, %dma_start3A_69] : memref<10240x128xf32, #tpu.memory_space<hbm>> -> memref<10240x128xf32, #tpu.memory_space<hbm>>
      tpu.enqueue_indirect_dma source(%dma_start3A_70 : memref<10240x128xf32, #tpu.memory_space<hbm>>) target(%arg8 : memref<80x128xf32, #tpu.memory_space<vmem>>) offsets(%dma_start3A_67 : memref<80xi32, #tpu.memory_space<vmem>>) semaphore(%arg13 : memref<!tpu.dma_semaphore, #tpu.memory_space<semaphore_mem>>)
      %dma_wait3A = arith.constant 0 : i32
      %dma_wait3A_71 = tpu.memref_slice %arg6[%scan3A_65, %dma_wait3A] : memref<125x80xi32, #tpu.memory_space<vmem>> -> memref<1x80xi32, #tpu.memory_space<vmem>>
      %dma_wait3A_72 = tpu.memref_squeeze %dma_wait3A_71 : memref<1x80xi32, #tpu.memory_space<vmem>> -> memref<80xi32, #tpu.memory_space<vmem>>
      %dma_wait3A_73 = arith.constant 0 : i32
      %dma_wait3A_74 = arith.constant 0 : i32
      %dma_wait3A_75 = tpu.memref_slice %arg2[%dma_wait3A_73, %dma_wait3A_74] : memref<10240x128xf32, #tpu.memory_space<hbm>> -> memref<10240x128xf32, #tpu.memory_space<hbm>>
      tpu.wait_indirect_dma semaphore(%arg13 : memref<!tpu.dma_semaphore, #tpu.memory_space<semaphore_mem>>) src(%dma_wait3A_75 : memref<10240x128xf32, #tpu.memory_space<hbm>>) dst(%arg8 : memref<80x128xf32, #tpu.memory_space<vmem>>)
      "tpu.region"() ({
        %run_scoped3A = tpu.sem_alloc : memref<!tpu.dma_semaphore, #tpu.memory_space<semaphore_mem>>
        %dma_start3A_76 = arith.constant 0 : i32
        %dma_start3A_77 = tpu.memref_slice %arg7[%scan3A_65, %dma_start3A_76] : memref<125x80xi32, #tpu.memory_space<vmem>> -> memref<1x80xi32, #tpu.memory_space<vmem>>
        %dma_start3A_78 = tpu.memref_squeeze %dma_start3A_77 : memref<1x80xi32, #tpu.memory_space<vmem>> -> memref<80xi32, #tpu.memory_space<vmem>>
        %dma_start3A_79 = arith.constant 0 : i32
        %dma_start3A_80 = arith.constant 0 : i32
        %dma_start3A_81 = tpu.memref_slice %arg11[%dma_start3A_79, %dma_start3A_80] : memref<10240x128xf32, #tpu.memory_space<vmem_shared>> -> memref<10240x128xf32, #tpu.memory_space<vmem_shared>>
        tpu.enqueue_indirect_dma source(%arg8 : memref<80x128xf32, #tpu.memory_space<vmem>>) target(%dma_start3A_81 : memref<10240x128xf32, #tpu.memory_space<vmem_shared>>) offsets(%dma_start3A_78 : memref<80xi32, #tpu.memory_space<vmem>>) semaphore(%run_scoped3A : memref<!tpu.dma_semaphore, #tpu.memory_space<semaphore_mem>>) {add = true}
        %dma_wait3A_82 = arith.constant 0 : i32
        %dma_wait3A_83 = tpu.memref_slice %arg7[%scan3A_65, %dma_wait3A_82] : memref<125x80xi32, #tpu.memory_space<vmem>> -> memref<1x80xi32, #tpu.memory_space<vmem>>
        %dma_wait3A_84 = tpu.memref_squeeze %dma_wait3A_83 : memref<1x80xi32, #tpu.memory_space<vmem>> -> memref<80xi32, #tpu.memory_space<vmem>>
        %dma_wait3A_85 = arith.constant 0 : i32
        %dma_wait3A_86 = arith.constant 0 : i32
        %dma_wait3A_87 = tpu.memref_slice %arg11[%dma_wait3A_85, %dma_wait3A_86] : memref<10240x128xf32, #tpu.memory_space<vmem_shared>> -> memref<10240x128xf32, #tpu.memory_space<vmem_shared>>
        tpu.wait_indirect_dma semaphore(%run_scoped3A : memref<!tpu.dma_semaphore, #tpu.memory_space<semaphore_mem>>) src(%arg8 : memref<80x128xf32, #tpu.memory_space<vmem>>) dst(%dma_wait3A_87 : memref<10240x128xf32, #tpu.memory_space<vmem_shared>>)
        tpu.yield
      }) : () -> ()
    }
    %scan3A_63 = arith.constant 125 : i32
    %barrier3A_64 = arith.constant 0 : index
    tpu.barrier barrier_id(%barrier3A_64)
    "tpu.region"() ({
      %run_scoped3A = tpu.sem_alloc : memref<!tpu.dma_semaphore, #tpu.memory_space<semaphore_mem>>
      %dma_start3A = arith.constant 0 : i32
      %dma_start3A_65 = tpu.memref_slice %arg5[%arg0, %mul3A_41, %dma_start3A] : memref<2x10240x128xf32, #tpu.memory_space<hbm>> -> memref<1x640x128xf32, #tpu.memory_space<hbm>>
      %dma_start3A_66 = tpu.memref_squeeze %dma_start3A_65 : memref<1x640x128xf32, #tpu.memory_space<hbm>> -> memref<640x128xf32, #tpu.memory_space<hbm>>
      %dma_start3A_67 = arith.constant 0 : i32
      %dma_start3A_68 = tpu.memref_slice %arg11[%mul3A_41, %dma_start3A_67] : memref<10240x128xf32, #tpu.memory_space<vmem_shared>> -> memref<640x128xf32, #tpu.memory_space<vmem_shared>>
      tpu.enqueue_dma source(%dma_start3A_68 : memref<640x128xf32, #tpu.memory_space<vmem_shared>>) target(%dma_start3A_66 : memref<640x128xf32, #tpu.memory_space<hbm>>) target_semaphore(%run_scoped3A : memref<!tpu.dma_semaphore, #tpu.memory_space<semaphore_mem>>)
      %dma_wait3A = arith.constant 0 : i32
      %dma_wait3A_69 = tpu.memref_slice %arg5[%arg0, %mul3A_41, %dma_wait3A] : memref<2x10240x128xf32, #tpu.memory_space<hbm>> -> memref<1x640x128xf32, #tpu.memory_space<hbm>>
      %dma_wait3A_70 = tpu.memref_squeeze %dma_wait3A_69 : memref<1x640x128xf32, #tpu.memory_space<hbm>> -> memref<640x128xf32, #tpu.memory_space<hbm>>
      %dma_wait3A_71 = arith.constant 0 : i32
      %dma_wait3A_72 = tpu.memref_slice %arg11[%mul3A_41, %dma_wait3A_71] : memref<10240x128xf32, #tpu.memory_space<vmem_shared>> -> memref<640x128xf32, #tpu.memory_space<vmem_shared>>
      tpu.wait_dma2 semaphore(%run_scoped3A : memref<!tpu.dma_semaphore, #tpu.memory_space<semaphore_mem>>) src(%dma_wait3A_72 : memref<640x128xf32, #tpu.memory_space<vmem_shared>>) dst(%dma_wait3A_70 : memref<640x128xf32, #tpu.memory_space<hbm>>)
      tpu.yield
    }) : () -> ()
    return
  }
}

#map = affine_map<(d0, d1) -> (0, 0)>
#map1 = affine_map<(d0, d1) -> (0, 0, 0)>
module attributes {stable_mosaic.version = 14 : i64} {
  func.func @seg(%arg0: i32, %arg1: i32, %arg2: memref<10240x128xf32, #tpu.memory_space<hbm>>, %arg3: memref<32x125x80xi32, #tpu.memory_space<hbm>>, %arg4: memref<32x125x80xi32, #tpu.memory_space<hbm>>, %arg5: memref<2x10240x128xf32, #tpu.memory_space<hbm>>, %arg6: memref<2x10240xf32, #tpu.memory_space<hbm>>, %arg7: memref<125x80xi32, #tpu.memory_space<vmem>>, %arg8: memref<125x80xi32, #tpu.memory_space<vmem>>, %arg9: memref<80x128xf32, #tpu.memory_space<vmem>>, %arg10: memref<80xf32, #tpu.memory_space<vmem>>, %arg11: memref<640xf32, #tpu.memory_space<vmem>>, %arg12: memref<10240x128xf32, #tpu.memory_space<vmem_shared>>, %arg13: memref<10240xf32, #tpu.memory_space<vmem_shared>>, %arg14: memref<!tpu.dma_semaphore, #tpu.memory_space<semaphore_mem>>) attributes {dimension_semantics = [#tpu.dimension_semantics<core_parallel>, #tpu.dimension_semantics<subcore_parallel>], iteration_bounds = array<i64: 2, 16>, scalar_prefetch = 0 : i64, scratch_operands = 8 : i64, tpu.core_type = #tpu.core_type<sc_vector_subcore>, window_params = [{transform_indices = #map}, {transform_indices = #map1}, {transform_indices = #map1}, {transform_indices = #map1}, {transform_indices = #map}]} {
    %mul3A = arith.constant 2 : i32
    %mul3A_0 = arith.muli %arg1, %mul3A : i32
    %add3A = arith.addi %mul3A_0, %arg0 : i32
    %scan3A = arith.constant 0 : i32
    %scan3A_1 = arith.constant 0 : i32
    %scan3A_2 = arith.constant 80 : i32
    %scan3A_3 = arith.addi %scan3A_1, %scan3A_2 : i32
    %scan3A_4 = arith.constant 1 : i32
    scf.for %scan3A_65 = %scan3A_1 to %scan3A_3 step %scan3A_4  : i32 {
      %broadcast_in_dim3A_66 = arith.constant 0.000000e+00 : f32
      %broadcast_in_dim3A_67 = vector.broadcast %broadcast_in_dim3A_66 : f32 to vector<16xf32>
      %swap3A_68 = arith.index_cast %scan3A_65 : i32 to index
      %swap3A_69 = arith.constant 0 : index
      %swap3A_70 = tpu.vector_load %arg9[%swap3A_68, %swap3A_69] {strides = array<i32>} : memref<80x128xf32, #tpu.memory_space<vmem>>, vector<1x16xf32>,
      %swap3A_71 = vector.shape_cast %swap3A_70 : vector<1x16xf32> to vector<16xf32>
      %swap3A_72 = vector.shape_cast %broadcast_in_dim3A_67 : vector<16xf32> to vector<1x16xf32>
      tpu.vector_store %arg9[%swap3A_68, %swap3A_69], %swap3A_72 {strides = array<i32>} : memref<80x128xf32, #tpu.memory_space<vmem>>, vector<1x16xf32>,
      %broadcast_in_dim3A_73 = arith.constant 0.000000e+00 : f32
      %broadcast_in_dim3A_74 = vector.broadcast %broadcast_in_dim3A_73 : f32 to vector<16xf32>
      %swap3A_75 = arith.index_cast %scan3A_65 : i32 to index
      %swap3A_76 = arith.constant 16 : index
      %swap3A_77 = tpu.vector_load %arg9[%swap3A_75, %swap3A_76] {strides = array<i32>} : memref<80x128xf32, #tpu.memory_space<vmem>>, vector<1x16xf32>,
      %swap3A_78 = vector.shape_cast %swap3A_77 : vector<1x16xf32> to vector<16xf32>
      %swap3A_79 = vector.shape_cast %broadcast_in_dim3A_74 : vector<16xf32> to vector<1x16xf32>
      tpu.vector_store %arg9[%swap3A_75, %swap3A_76], %swap3A_79 {strides = array<i32>} : memref<80x128xf32, #tpu.memory_space<vmem>>, vector<1x16xf32>,
      %broadcast_in_dim3A_80 = arith.constant 0.000000e+00 : f32
      %broadcast_in_dim3A_81 = vector.broadcast %broadcast_in_dim3A_80 : f32 to vector<16xf32>
      %swap3A_82 = arith.index_cast %scan3A_65 : i32 to index
      %swap3A_83 = arith.constant 32 : index
      %swap3A_84 = tpu.vector_load %arg9[%swap3A_82, %swap3A_83] {strides = array<i32>} : memref<80x128xf32, #tpu.memory_space<vmem>>, vector<1x16xf32>,
      %swap3A_85 = vector.shape_cast %swap3A_84 : vector<1x16xf32> to vector<16xf32>
      %swap3A_86 = vector.shape_cast %broadcast_in_dim3A_81 : vector<16xf32> to vector<1x16xf32>
      tpu.vector_store %arg9[%swap3A_82, %swap3A_83], %swap3A_86 {strides = array<i32>} : memref<80x128xf32, #tpu.memory_space<vmem>>, vector<1x16xf32>,
      %broadcast_in_dim3A_87 = arith.constant 0.000000e+00 : f32
      %broadcast_in_dim3A_88 = vector.broadcast %broadcast_in_dim3A_87 : f32 to vector<16xf32>
      %swap3A_89 = arith.index_cast %scan3A_65 : i32 to index
      %swap3A_90 = arith.constant 48 : index
      %swap3A_91 = tpu.vector_load %arg9[%swap3A_89, %swap3A_90] {strides = array<i32>} : memref<80x128xf32, #tpu.memory_space<vmem>>, vector<1x16xf32>,
      %swap3A_92 = vector.shape_cast %swap3A_91 : vector<1x16xf32> to vector<16xf32>
      %swap3A_93 = vector.shape_cast %broadcast_in_dim3A_88 : vector<16xf32> to vector<1x16xf32>
      tpu.vector_store %arg9[%swap3A_89, %swap3A_90], %swap3A_93 {strides = array<i32>} : memref<80x128xf32, #tpu.memory_space<vmem>>, vector<1x16xf32>,
      %broadcast_in_dim3A_94 = arith.constant 0.000000e+00 : f32
      %broadcast_in_dim3A_95 = vector.broadcast %broadcast_in_dim3A_94 : f32 to vector<16xf32>
      %swap3A_96 = arith.index_cast %scan3A_65 : i32 to index
      %swap3A_97 = arith.constant 64 : index
      %swap3A_98 = tpu.vector_load %arg9[%swap3A_96, %swap3A_97] {strides = array<i32>} : memref<80x128xf32, #tpu.memory_space<vmem>>, vector<1x16xf32>,
      %swap3A_99 = vector.shape_cast %swap3A_98 : vector<1x16xf32> to vector<16xf32>
      %swap3A_100 = vector.shape_cast %broadcast_in_dim3A_95 : vector<16xf32> to vector<1x16xf32>
      tpu.vector_store %arg9[%swap3A_96, %swap3A_97], %swap3A_100 {strides = array<i32>} : memref<80x128xf32, #tpu.memory_space<vmem>>, vector<1x16xf32>,
      %broadcast_in_dim3A_101 = arith.constant 0.000000e+00 : f32
      %broadcast_in_dim3A_102 = vector.broadcast %broadcast_in_dim3A_101 : f32 to vector<16xf32>
      %swap3A_103 = arith.index_cast %scan3A_65 : i32 to index
      %swap3A_104 = arith.constant 80 : index
      %swap3A_105 = tpu.vector_load %arg9[%swap3A_103, %swap3A_104] {strides = array<i32>} : memref<80x128xf32, #tpu.memory_space<vmem>>, vector<1x16xf32>,
      %swap3A_106 = vector.shape_cast %swap3A_105 : vector<1x16xf32> to vector<16xf32>
      %swap3A_107 = vector.shape_cast %broadcast_in_dim3A_102 : vector<16xf32> to vector<1x16xf32>
      tpu.vector_store %arg9[%swap3A_103, %swap3A_104], %swap3A_107 {strides = array<i32>} : memref<80x128xf32, #tpu.memory_space<vmem>>, vector<1x16xf32>,
      %broadcast_in_dim3A_108 = arith.constant 0.000000e+00 : f32
      %broadcast_in_dim3A_109 = vector.broadcast %broadcast_in_dim3A_108 : f32 to vector<16xf32>
      %swap3A_110 = arith.index_cast %scan3A_65 : i32 to index
      %swap3A_111 = arith.constant 96 : index
      %swap3A_112 = tpu.vector_load %arg9[%swap3A_110, %swap3A_111] {strides = array<i32>} : memref<80x128xf32, #tpu.memory_space<vmem>>, vector<1x16xf32>,
      %swap3A_113 = vector.shape_cast %swap3A_112 : vector<1x16xf32> to vector<16xf32>
      %swap3A_114 = vector.shape_cast %broadcast_in_dim3A_109 : vector<16xf32> to vector<1x16xf32>
      tpu.vector_store %arg9[%swap3A_110, %swap3A_111], %swap3A_114 {strides = array<i32>} : memref<80x128xf32, #tpu.memory_space<vmem>>, vector<1x16xf32>,
      %broadcast_in_dim3A_115 = arith.constant 0.000000e+00 : f32
      %broadcast_in_dim3A_116 = vector.broadcast %broadcast_in_dim3A_115 : f32 to vector<16xf32>
      %swap3A_117 = arith.index_cast %scan3A_65 : i32 to index
      %swap3A_118 = arith.constant 112 : index
      %swap3A_119 = tpu.vector_load %arg9[%swap3A_117, %swap3A_118] {strides = array<i32>} : memref<80x128xf32, #tpu.memory_space<vmem>>, vector<1x16xf32>,
      %swap3A_120 = vector.shape_cast %swap3A_119 : vector<1x16xf32> to vector<16xf32>
      %swap3A_121 = vector.shape_cast %broadcast_in_dim3A_116 : vector<16xf32> to vector<1x16xf32>
      tpu.vector_store %arg9[%swap3A_117, %swap3A_118], %swap3A_121 {strides = array<i32>} : memref<80x128xf32, #tpu.memory_space<vmem>>, vector<1x16xf32>,
    }
    %scan3A_5 = arith.constant 80 : i32
    %scan3A_6 = arith.constant 0 : i32
    %scan3A_7 = arith.constant 0 : i32
    %scan3A_8 = arith.constant 40 : i32
    %scan3A_9 = arith.addi %scan3A_7, %scan3A_8 : i32
    %scan3A_10 = arith.constant 1 : i32
    scf.for %scan3A_65 = %scan3A_7 to %scan3A_9 step %scan3A_10  : i32 {
      %broadcast_in_dim3A_66 = arith.constant 0.000000e+00 : f32
      %broadcast_in_dim3A_67 = vector.broadcast %broadcast_in_dim3A_66 : f32 to vector<16xf32>
      %mul3A_68 = arith.constant 16 : i32
      %mul3A_69 = arith.muli %scan3A_65, %mul3A_68 : i32
      %swap3A_70 = arith.index_cast %mul3A_69 : i32 to index
      %swap3A_71 = tpu.vector_load %arg11[%swap3A_70] {strides = array<i32>} : memref<640xf32, #tpu.memory_space<vmem>>, vector<16xf32>,
      %swap3A_72 = vector.shape_cast %swap3A_71 : vector<16xf32> to vector<16xf32>
      %swap3A_73 = vector.shape_cast %broadcast_in_dim3A_67 : vector<16xf32> to vector<16xf32>
      tpu.vector_store %arg11[%swap3A_70], %swap3A_73 {strides = array<i32>} : memref<640xf32, #tpu.memory_space<vmem>>, vector<16xf32>,
    }
    %scan3A_11 = arith.constant 40 : i32
    %broadcast_in_dim3A = arith.constant 1.000000e+00 : f32
    %broadcast_in_dim3A_12 = vector.broadcast %broadcast_in_dim3A : f32 to vector<16xf32>
    %swap3A = arith.constant 0 : index
    %swap3A_13 = tpu.vector_load %arg10[%swap3A] {strides = array<i32>} : memref<80xf32, #tpu.memory_space<vmem>>, vector<16xf32>,
    %swap3A_14 = vector.shape_cast %swap3A_13 : vector<16xf32> to vector<16xf32>
    %swap3A_15 = vector.shape_cast %broadcast_in_dim3A_12 : vector<16xf32> to vector<16xf32>
    tpu.vector_store %arg10[%swap3A], %swap3A_15 {strides = array<i32>} : memref<80xf32, #tpu.memory_space<vmem>>, vector<16xf32>,
    %broadcast_in_dim3A_16 = arith.constant 1.000000e+00 : f32
    %broadcast_in_dim3A_17 = vector.broadcast %broadcast_in_dim3A_16 : f32 to vector<16xf32>
    %swap3A_18 = arith.constant 16 : index
    %swap3A_19 = tpu.vector_load %arg10[%swap3A_18] {strides = array<i32>} : memref<80xf32, #tpu.memory_space<vmem>>, vector<16xf32>,
    %swap3A_20 = vector.shape_cast %swap3A_19 : vector<16xf32> to vector<16xf32>
    %swap3A_21 = vector.shape_cast %broadcast_in_dim3A_17 : vector<16xf32> to vector<16xf32>
    tpu.vector_store %arg10[%swap3A_18], %swap3A_21 {strides = array<i32>} : memref<80xf32, #tpu.memory_space<vmem>>, vector<16xf32>,
    %broadcast_in_dim3A_22 = arith.constant 1.000000e+00 : f32
    %broadcast_in_dim3A_23 = vector.broadcast %broadcast_in_dim3A_22 : f32 to vector<16xf32>
    %swap3A_24 = arith.constant 32 : index
    %swap3A_25 = tpu.vector_load %arg10[%swap3A_24] {strides = array<i32>} : memref<80xf32, #tpu.memory_space<vmem>>, vector<16xf32>,
    %swap3A_26 = vector.shape_cast %swap3A_25 : vector<16xf32> to vector<16xf32>
    %swap3A_27 = vector.shape_cast %broadcast_in_dim3A_23 : vector<16xf32> to vector<16xf32>
    tpu.vector_store %arg10[%swap3A_24], %swap3A_27 {strides = array<i32>} : memref<80xf32, #tpu.memory_space<vmem>>, vector<16xf32>,
    %broadcast_in_dim3A_28 = arith.constant 1.000000e+00 : f32
    %broadcast_in_dim3A_29 = vector.broadcast %broadcast_in_dim3A_28 : f32 to vector<16xf32>
    %swap3A_30 = arith.constant 48 : index
    %swap3A_31 = tpu.vector_load %arg10[%swap3A_30] {strides = array<i32>} : memref<80xf32, #tpu.memory_space<vmem>>, vector<16xf32>,
    %swap3A_32 = vector.shape_cast %swap3A_31 : vector<16xf32> to vector<16xf32>
    %swap3A_33 = vector.shape_cast %broadcast_in_dim3A_29 : vector<16xf32> to vector<16xf32>
    tpu.vector_store %arg10[%swap3A_30], %swap3A_33 {strides = array<i32>} : memref<80xf32, #tpu.memory_space<vmem>>, vector<16xf32>,
    %broadcast_in_dim3A_34 = arith.constant 1.000000e+00 : f32
    %broadcast_in_dim3A_35 = vector.broadcast %broadcast_in_dim3A_34 : f32 to vector<16xf32>
    %swap3A_36 = arith.constant 64 : index
    %swap3A_37 = tpu.vector_load %arg10[%swap3A_36] {strides = array<i32>} : memref<80xf32, #tpu.memory_space<vmem>>, vector<16xf32>,
    %swap3A_38 = vector.shape_cast %swap3A_37 : vector<16xf32> to vector<16xf32>
    %swap3A_39 = vector.shape_cast %broadcast_in_dim3A_35 : vector<16xf32> to vector<16xf32>
    tpu.vector_store %arg10[%swap3A_36], %swap3A_39 {strides = array<i32>} : memref<80xf32, #tpu.memory_space<vmem>>, vector<16xf32>,
    %mul3A_40 = arith.constant 640 : i32
    %mul3A_41 = arith.muli %arg1, %mul3A_40 : i32
    %add3A_42 = arith.constant 0 : i32
    %add3A_43 = arith.addi %mul3A_41, %add3A_42 : i32
    "tpu.region"() ({
      %run_scoped3A = tpu.sem_alloc : memref<!tpu.dma_semaphore, #tpu.memory_space<semaphore_mem>>
      %dma_start3A = arith.constant 0 : i32
      %dma_start3A_65 = tpu.memref_slice %arg12[%add3A_43, %dma_start3A] : memref<10240x128xf32, #tpu.memory_space<vmem_shared>> -> memref<80x128xf32, #tpu.memory_space<vmem_shared>>
      %dma_start3A_66 = arith.constant 0 : i32
      %dma_start3A_67 = tpu.memref_slice %arg12[%add3A_43, %dma_start3A_66] : memref<10240x128xf32, #tpu.memory_space<vmem_shared>> -> memref<80x128xf32, #tpu.memory_space<vmem_shared>>
      tpu.enqueue_dma source(%arg9 : memref<80x128xf32, #tpu.memory_space<vmem>>) target(%dma_start3A_67 : memref<80x128xf32, #tpu.memory_space<vmem_shared>>) target_semaphore(%run_scoped3A : memref<!tpu.dma_semaphore, #tpu.memory_space<semaphore_mem>>)
      %dma_wait3A = arith.constant 0 : i32
      %dma_wait3A_68 = tpu.memref_slice %arg12[%add3A_43, %dma_wait3A] : memref<10240x128xf32, #tpu.memory_space<vmem_shared>> -> memref<80x128xf32, #tpu.memory_space<vmem_shared>>
      %dma_wait3A_69 = arith.constant 0 : i32
      %dma_wait3A_70 = tpu.memref_slice %arg12[%add3A_43, %dma_wait3A_69] : memref<10240x128xf32, #tpu.memory_space<vmem_shared>> -> memref<80x128xf32, #tpu.memory_space<vmem_shared>>
      tpu.wait_dma2 semaphore(%run_scoped3A : memref<!tpu.dma_semaphore, #tpu.memory_space<semaphore_mem>>) src(%arg9 : memref<80x128xf32, #tpu.memory_space<vmem>>) dst(%dma_wait3A_70 : memref<80x128xf32, #tpu.memory_space<vmem_shared>>)
      tpu.yield
    }) : () -> ()
    %add3A_44 = arith.constant 80 : i32
    %add3A_45 = arith.addi %mul3A_41, %add3A_44 : i32
    "tpu.region"() ({
      %run_scoped3A = tpu.sem_alloc : memref<!tpu.dma_semaphore, #tpu.memory_space<semaphore_mem>>
      %dma_start3A = arith.constant 0 : i32
      %dma_start3A_65 = tpu.memref_slice %arg12[%add3A_45, %dma_start3A] : memref<10240x128xf32, #tpu.memory_space<vmem_shared>> -> memref<80x128xf32, #tpu.memory_space<vmem_shared>>
      %dma_start3A_66 = arith.constant 0 : i32
      %dma_start3A_67 = tpu.memref_slice %arg12[%add3A_45, %dma_start3A_66] : memref<10240x128xf32, #tpu.memory_space<vmem_shared>> -> memref<80x128xf32, #tpu.memory_space<vmem_shared>>
      tpu.enqueue_dma source(%arg9 : memref<80x128xf32, #tpu.memory_space<vmem>>) target(%dma_start3A_67 : memref<80x128xf32, #tpu.memory_space<vmem_shared>>) target_semaphore(%run_scoped3A : memref<!tpu.dma_semaphore, #tpu.memory_space<semaphore_mem>>)
      %dma_wait3A = arith.constant 0 : i32
      %dma_wait3A_68 = tpu.memref_slice %arg12[%add3A_45, %dma_wait3A] : memref<10240x128xf32, #tpu.memory_space<vmem_shared>> -> memref<80x128xf32, #tpu.memory_space<vmem_shared>>
      %dma_wait3A_69 = arith.constant 0 : i32
      %dma_wait3A_70 = tpu.memref_slice %arg12[%add3A_45, %dma_wait3A_69] : memref<10240x128xf32, #tpu.memory_space<vmem_shared>> -> memref<80x128xf32, #tpu.memory_space<vmem_shared>>
      tpu.wait_dma2 semaphore(%run_scoped3A : memref<!tpu.dma_semaphore, #tpu.memory_space<semaphore_mem>>) src(%arg9 : memref<80x128xf32, #tpu.memory_space<vmem>>) dst(%dma_wait3A_70 : memref<80x128xf32, #tpu.memory_space<vmem_shared>>)
      tpu.yield
    }) : () -> ()
    %add3A_46 = arith.constant 160 : i32
    %add3A_47 = arith.addi %mul3A_41, %add3A_46 : i32
    "tpu.region"() ({
      %run_scoped3A = tpu.sem_alloc : memref<!tpu.dma_semaphore, #tpu.memory_space<semaphore_mem>>
      %dma_start3A = arith.constant 0 : i32
      %dma_start3A_65 = tpu.memref_slice %arg12[%add3A_47, %dma_start3A] : memref<10240x128xf32, #tpu.memory_space<vmem_shared>> -> memref<80x128xf32, #tpu.memory_space<vmem_shared>>
      %dma_start3A_66 = arith.constant 0 : i32
      %dma_start3A_67 = tpu.memref_slice %arg12[%add3A_47, %dma_start3A_66] : memref<10240x128xf32, #tpu.memory_space<vmem_shared>> -> memref<80x128xf32, #tpu.memory_space<vmem_shared>>
      tpu.enqueue_dma source(%arg9 : memref<80x128xf32, #tpu.memory_space<vmem>>) target(%dma_start3A_67 : memref<80x128xf32, #tpu.memory_space<vmem_shared>>) target_semaphore(%run_scoped3A : memref<!tpu.dma_semaphore, #tpu.memory_space<semaphore_mem>>)
      %dma_wait3A = arith.constant 0 : i32
      %dma_wait3A_68 = tpu.memref_slice %arg12[%add3A_47, %dma_wait3A] : memref<10240x128xf32, #tpu.memory_space<vmem_shared>> -> memref<80x128xf32, #tpu.memory_space<vmem_shared>>
      %dma_wait3A_69 = arith.constant 0 : i32
      %dma_wait3A_70 = tpu.memref_slice %arg12[%add3A_47, %dma_wait3A_69] : memref<10240x128xf32, #tpu.memory_space<vmem_shared>> -> memref<80x128xf32, #tpu.memory_space<vmem_shared>>
      tpu.wait_dma2 semaphore(%run_scoped3A : memref<!tpu.dma_semaphore, #tpu.memory_space<semaphore_mem>>) src(%arg9 : memref<80x128xf32, #tpu.memory_space<vmem>>) dst(%dma_wait3A_70 : memref<80x128xf32, #tpu.memory_space<vmem_shared>>)
      tpu.yield
    }) : () -> ()
    %add3A_48 = arith.constant 240 : i32
    %add3A_49 = arith.addi %mul3A_41, %add3A_48 : i32
    "tpu.region"() ({
      %run_scoped3A = tpu.sem_alloc : memref<!tpu.dma_semaphore, #tpu.memory_space<semaphore_mem>>
      %dma_start3A = arith.constant 0 : i32
      %dma_start3A_65 = tpu.memref_slice %arg12[%add3A_49, %dma_start3A] : memref<10240x128xf32, #tpu.memory_space<vmem_shared>> -> memref<80x128xf32, #tpu.memory_space<vmem_shared>>
      %dma_start3A_66 = arith.constant 0 : i32
      %dma_start3A_67 = tpu.memref_slice %arg12[%add3A_49, %dma_start3A_66] : memref<10240x128xf32, #tpu.memory_space<vmem_shared>> -> memref<80x128xf32, #tpu.memory_space<vmem_shared>>
      tpu.enqueue_dma source(%arg9 : memref<80x128xf32, #tpu.memory_space<vmem>>) target(%dma_start3A_67 : memref<80x128xf32, #tpu.memory_space<vmem_shared>>) target_semaphore(%run_scoped3A : memref<!tpu.dma_semaphore, #tpu.memory_space<semaphore_mem>>)
      %dma_wait3A = arith.constant 0 : i32
      %dma_wait3A_68 = tpu.memref_slice %arg12[%add3A_49, %dma_wait3A] : memref<10240x128xf32, #tpu.memory_space<vmem_shared>> -> memref<80x128xf32, #tpu.memory_space<vmem_shared>>
      %dma_wait3A_69 = arith.constant 0 : i32
      %dma_wait3A_70 = tpu.memref_slice %arg12[%add3A_49, %dma_wait3A_69] : memref<10240x128xf32, #tpu.memory_space<vmem_shared>> -> memref<80x128xf32, #tpu.memory_space<vmem_shared>>
      tpu.wait_dma2 semaphore(%run_scoped3A : memref<!tpu.dma_semaphore, #tpu.memory_space<semaphore_mem>>) src(%arg9 : memref<80x128xf32, #tpu.memory_space<vmem>>) dst(%dma_wait3A_70 : memref<80x128xf32, #tpu.memory_space<vmem_shared>>)
      tpu.yield
    }) : () -> ()
    %add3A_50 = arith.constant 320 : i32
    %add3A_51 = arith.addi %mul3A_41, %add3A_50 : i32
    "tpu.region"() ({
      %run_scoped3A = tpu.sem_alloc : memref<!tpu.dma_semaphore, #tpu.memory_space<semaphore_mem>>
      %dma_start3A = arith.constant 0 : i32
      %dma_start3A_65 = tpu.memref_slice %arg12[%add3A_51, %dma_start3A] : memref<10240x128xf32, #tpu.memory_space<vmem_shared>> -> memref<80x128xf32, #tpu.memory_space<vmem_shared>>
      %dma_start3A_66 = arith.constant 0 : i32
      %dma_start3A_67 = tpu.memref_slice %arg12[%add3A_51, %dma_start3A_66] : memref<10240x128xf32, #tpu.memory_space<vmem_shared>> -> memref<80x128xf32, #tpu.memory_space<vmem_shared>>
      tpu.enqueue_dma source(%arg9 : memref<80x128xf32, #tpu.memory_space<vmem>>) target(%dma_start3A_67 : memref<80x128xf32, #tpu.memory_space<vmem_shared>>) target_semaphore(%run_scoped3A : memref<!tpu.dma_semaphore, #tpu.memory_space<semaphore_mem>>)
      %dma_wait3A = arith.constant 0 : i32
      %dma_wait3A_68 = tpu.memref_slice %arg12[%add3A_51, %dma_wait3A] : memref<10240x128xf32, #tpu.memory_space<vmem_shared>> -> memref<80x128xf32, #tpu.memory_space<vmem_shared>>
      %dma_wait3A_69 = arith.constant 0 : i32
      %dma_wait3A_70 = tpu.memref_slice %arg12[%add3A_51, %dma_wait3A_69] : memref<10240x128xf32, #tpu.memory_space<vmem_shared>> -> memref<80x128xf32, #tpu.memory_space<vmem_shared>>
      tpu.wait_dma2 semaphore(%run_scoped3A : memref<!tpu.dma_semaphore, #tpu.memory_space<semaphore_mem>>) src(%arg9 : memref<80x128xf32, #tpu.memory_space<vmem>>) dst(%dma_wait3A_70 : memref<80x128xf32, #tpu.memory_space<vmem_shared>>)
      tpu.yield
    }) : () -> ()
    %add3A_52 = arith.constant 400 : i32
    %add3A_53 = arith.addi %mul3A_41, %add3A_52 : i32
    "tpu.region"() ({
      %run_scoped3A = tpu.sem_alloc : memref<!tpu.dma_semaphore, #tpu.memory_space<semaphore_mem>>
      %dma_start3A = arith.constant 0 : i32
      %dma_start3A_65 = tpu.memref_slice %arg12[%add3A_53, %dma_start3A] : memref<10240x128xf32, #tpu.memory_space<vmem_shared>> -> memref<80x128xf32, #tpu.memory_space<vmem_shared>>
      %dma_start3A_66 = arith.constant 0 : i32
      %dma_start3A_67 = tpu.memref_slice %arg12[%add3A_53, %dma_start3A_66] : memref<10240x128xf32, #tpu.memory_space<vmem_shared>> -> memref<80x128xf32, #tpu.memory_space<vmem_shared>>
      tpu.enqueue_dma source(%arg9 : memref<80x128xf32, #tpu.memory_space<vmem>>) target(%dma_start3A_67 : memref<80x128xf32, #tpu.memory_space<vmem_shared>>) target_semaphore(%run_scoped3A : memref<!tpu.dma_semaphore, #tpu.memory_space<semaphore_mem>>)
      %dma_wait3A = arith.constant 0 : i32
      %dma_wait3A_68 = tpu.memref_slice %arg12[%add3A_53, %dma_wait3A] : memref<10240x128xf32, #tpu.memory_space<vmem_shared>> -> memref<80x128xf32, #tpu.memory_space<vmem_shared>>
      %dma_wait3A_69 = arith.constant 0 : i32
      %dma_wait3A_70 = tpu.memref_slice %arg12[%add3A_53, %dma_wait3A_69] : memref<10240x128xf32, #tpu.memory_space<vmem_shared>> -> memref<80x128xf32, #tpu.memory_space<vmem_shared>>
      tpu.wait_dma2 semaphore(%run_scoped3A : memref<!tpu.dma_semaphore, #tpu.memory_space<semaphore_mem>>) src(%arg9 : memref<80x128xf32, #tpu.memory_space<vmem>>) dst(%dma_wait3A_70 : memref<80x128xf32, #tpu.memory_space<vmem_shared>>)
      tpu.yield
    }) : () -> ()
    %add3A_54 = arith.constant 480 : i32
    %add3A_55 = arith.addi %mul3A_41, %add3A_54 : i32
    "tpu.region"() ({
      %run_scoped3A = tpu.sem_alloc : memref<!tpu.dma_semaphore, #tpu.memory_space<semaphore_mem>>
      %dma_start3A = arith.constant 0 : i32
      %dma_start3A_65 = tpu.memref_slice %arg12[%add3A_55, %dma_start3A] : memref<10240x128xf32, #tpu.memory_space<vmem_shared>> -> memref<80x128xf32, #tpu.memory_space<vmem_shared>>
      %dma_start3A_66 = arith.constant 0 : i32
      %dma_start3A_67 = tpu.memref_slice %arg12[%add3A_55, %dma_start3A_66] : memref<10240x128xf32, #tpu.memory_space<vmem_shared>> -> memref<80x128xf32, #tpu.memory_space<vmem_shared>>
      tpu.enqueue_dma source(%arg9 : memref<80x128xf32, #tpu.memory_space<vmem>>) target(%dma_start3A_67 : memref<80x128xf32, #tpu.memory_space<vmem_shared>>) target_semaphore(%run_scoped3A : memref<!tpu.dma_semaphore, #tpu.memory_space<semaphore_mem>>)
      %dma_wait3A = arith.constant 0 : i32
      %dma_wait3A_68 = tpu.memref_slice %arg12[%add3A_55, %dma_wait3A] : memref<10240x128xf32, #tpu.memory_space<vmem_shared>> -> memref<80x128xf32, #tpu.memory_space<vmem_shared>>
      %dma_wait3A_69 = arith.constant 0 : i32
      %dma_wait3A_70 = tpu.memref_slice %arg12[%add3A_55, %dma_wait3A_69] : memref<10240x128xf32, #tpu.memory_space<vmem_shared>> -> memref<80x128xf32, #tpu.memory_space<vmem_shared>>
      tpu.wait_dma2 semaphore(%run_scoped3A : memref<!tpu.dma_semaphore, #tpu.memory_space<semaphore_mem>>) src(%arg9 : memref<80x128xf32, #tpu.memory_space<vmem>>) dst(%dma_wait3A_70 : memref<80x128xf32, #tpu.memory_space<vmem_shared>>)
      tpu.yield
    }) : () -> ()
    %add3A_56 = arith.constant 560 : i32
    %add3A_57 = arith.addi %mul3A_41, %add3A_56 : i32
    "tpu.region"() ({
      %run_scoped3A = tpu.sem_alloc : memref<!tpu.dma_semaphore, #tpu.memory_space<semaphore_mem>>
      %dma_start3A = arith.constant 0 : i32
      %dma_start3A_65 = tpu.memref_slice %arg12[%add3A_57, %dma_start3A] : memref<10240x128xf32, #tpu.memory_space<vmem_shared>> -> memref<80x128xf32, #tpu.memory_space<vmem_shared>>
      %dma_start3A_66 = arith.constant 0 : i32
      %dma_start3A_67 = tpu.memref_slice %arg12[%add3A_57, %dma_start3A_66] : memref<10240x128xf32, #tpu.memory_space<vmem_shared>> -> memref<80x128xf32, #tpu.memory_space<vmem_shared>>
      tpu.enqueue_dma source(%arg9 : memref<80x128xf32, #tpu.memory_space<vmem>>) target(%dma_start3A_67 : memref<80x128xf32, #tpu.memory_space<vmem_shared>>) target_semaphore(%run_scoped3A : memref<!tpu.dma_semaphore, #tpu.memory_space<semaphore_mem>>)
      %dma_wait3A = arith.constant 0 : i32
      %dma_wait3A_68 = tpu.memref_slice %arg12[%add3A_57, %dma_wait3A] : memref<10240x128xf32, #tpu.memory_space<vmem_shared>> -> memref<80x128xf32, #tpu.memory_space<vmem_shared>>
      %dma_wait3A_69 = arith.constant 0 : i32
      %dma_wait3A_70 = tpu.memref_slice %arg12[%add3A_57, %dma_wait3A_69] : memref<10240x128xf32, #tpu.memory_space<vmem_shared>> -> memref<80x128xf32, #tpu.memory_space<vmem_shared>>
      tpu.wait_dma2 semaphore(%run_scoped3A : memref<!tpu.dma_semaphore, #tpu.memory_space<semaphore_mem>>) src(%arg9 : memref<80x128xf32, #tpu.memory_space<vmem>>) dst(%dma_wait3A_70 : memref<80x128xf32, #tpu.memory_space<vmem_shared>>)
      tpu.yield
    }) : () -> ()
    "tpu.region"() ({
      %run_scoped3A = tpu.sem_alloc : memref<!tpu.dma_semaphore, #tpu.memory_space<semaphore_mem>>
      %dma_start3A = tpu.memref_slice %arg13[%mul3A_41] : memref<10240xf32, #tpu.memory_space<vmem_shared>> -> memref<640xf32, #tpu.memory_space<vmem_shared>>
      %dma_start3A_65 = tpu.memref_slice %arg13[%mul3A_41] : memref<10240xf32, #tpu.memory_space<vmem_shared>> -> memref<640xf32, #tpu.memory_space<vmem_shared>>
      tpu.enqueue_dma source(%arg11 : memref<640xf32, #tpu.memory_space<vmem>>) target(%dma_start3A_65 : memref<640xf32, #tpu.memory_space<vmem_shared>>) target_semaphore(%run_scoped3A : memref<!tpu.dma_semaphore, #tpu.memory_space<semaphore_mem>>)
      %dma_wait3A = tpu.memref_slice %arg13[%mul3A_41] : memref<10240xf32, #tpu.memory_space<vmem_shared>> -> memref<640xf32, #tpu.memory_space<vmem_shared>>
      %dma_wait3A_66 = tpu.memref_slice %arg13[%mul3A_41] : memref<10240xf32, #tpu.memory_space<vmem_shared>> -> memref<640xf32, #tpu.memory_space<vmem_shared>>
      tpu.wait_dma2 semaphore(%run_scoped3A : memref<!tpu.dma_semaphore, #tpu.memory_space<semaphore_mem>>) src(%arg11 : memref<640xf32, #tpu.memory_space<vmem>>) dst(%dma_wait3A_66 : memref<640xf32, #tpu.memory_space<vmem_shared>>)
      tpu.yield
    }) : () -> ()
    %barrier3A = arith.constant 0 : index
    tpu.barrier barrier_id(%barrier3A)
    "tpu.region"() ({
      %run_scoped3A = tpu.sem_alloc : memref<!tpu.dma_semaphore, #tpu.memory_space<semaphore_mem>>
      %dma_start3A = arith.constant 0 : i32
      %dma_start3A_65 = arith.constant 0 : i32
      %dma_start3A_66 = tpu.memref_slice %arg3[%add3A, %dma_start3A, %dma_start3A_65] : memref<32x125x80xi32, #tpu.memory_space<hbm>> -> memref<1x125x80xi32, #tpu.memory_space<hbm>>
      %dma_start3A_67 = tpu.memref_squeeze %dma_start3A_66 : memref<1x125x80xi32, #tpu.memory_space<hbm>> -> memref<125x80xi32, #tpu.memory_space<hbm>>
      %dma_start3A_68 = arith.constant 0 : i32
      %dma_start3A_69 = arith.constant 0 : i32
      %dma_start3A_70 = tpu.memref_slice %arg3[%add3A, %dma_start3A_68, %dma_start3A_69] : memref<32x125x80xi32, #tpu.memory_space<hbm>> -> memref<1x125x80xi32, #tpu.memory_space<hbm>>
      %dma_start3A_71 = tpu.memref_squeeze %dma_start3A_70 : memref<1x125x80xi32, #tpu.memory_space<hbm>> -> memref<125x80xi32, #tpu.memory_space<hbm>>
      tpu.enqueue_dma source(%dma_start3A_71 : memref<125x80xi32, #tpu.memory_space<hbm>>) target(%arg7 : memref<125x80xi32, #tpu.memory_space<vmem>>) target_semaphore(%run_scoped3A : memref<!tpu.dma_semaphore, #tpu.memory_space<semaphore_mem>>)
      %dma_wait3A = arith.constant 0 : i32
      %dma_wait3A_72 = arith.constant 0 : i32
      %dma_wait3A_73 = tpu.memref_slice %arg3[%add3A, %dma_wait3A, %dma_wait3A_72] : memref<32x125x80xi32, #tpu.memory_space<hbm>> -> memref<1x125x80xi32, #tpu.memory_space<hbm>>
      %dma_wait3A_74 = tpu.memref_squeeze %dma_wait3A_73 : memref<1x125x80xi32, #tpu.memory_space<hbm>> -> memref<125x80xi32, #tpu.memory_space<hbm>>
      %dma_wait3A_75 = arith.constant 0 : i32
      %dma_wait3A_76 = arith.constant 0 : i32
      %dma_wait3A_77 = tpu.memref_slice %arg3[%add3A, %dma_wait3A_75, %dma_wait3A_76] : memref<32x125x80xi32, #tpu.memory_space<hbm>> -> memref<1x125x80xi32, #tpu.memory_space<hbm>>
      %dma_wait3A_78 = tpu.memref_squeeze %dma_wait3A_77 : memref<1x125x80xi32, #tpu.memory_space<hbm>> -> memref<125x80xi32, #tpu.memory_space<hbm>>
      tpu.wait_dma2 semaphore(%run_scoped3A : memref<!tpu.dma_semaphore, #tpu.memory_space<semaphore_mem>>) src(%dma_wait3A_78 : memref<125x80xi32, #tpu.memory_space<hbm>>) dst(%arg7 : memref<125x80xi32, #tpu.memory_space<vmem>>)
      tpu.yield
    }) : () -> ()
    "tpu.region"() ({
      %run_scoped3A = tpu.sem_alloc : memref<!tpu.dma_semaphore, #tpu.memory_space<semaphore_mem>>
      %dma_start3A = arith.constant 0 : i32
      %dma_start3A_65 = arith.constant 0 : i32
      %dma_start3A_66 = tpu.memref_slice %arg4[%add3A, %dma_start3A, %dma_start3A_65] : memref<32x125x80xi32, #tpu.memory_space<hbm>> -> memref<1x125x80xi32, #tpu.memory_space<hbm>>
      %dma_start3A_67 = tpu.memref_squeeze %dma_start3A_66 : memref<1x125x80xi32, #tpu.memory_space<hbm>> -> memref<125x80xi32, #tpu.memory_space<hbm>>
      %dma_start3A_68 = arith.constant 0 : i32
      %dma_start3A_69 = arith.constant 0 : i32
      %dma_start3A_70 = tpu.memref_slice %arg4[%add3A, %dma_start3A_68, %dma_start3A_69] : memref<32x125x80xi32, #tpu.memory_space<hbm>> -> memref<1x125x80xi32, #tpu.memory_space<hbm>>
      %dma_start3A_71 = tpu.memref_squeeze %dma_start3A_70 : memref<1x125x80xi32, #tpu.memory_space<hbm>> -> memref<125x80xi32, #tpu.memory_space<hbm>>
      tpu.enqueue_dma source(%dma_start3A_71 : memref<125x80xi32, #tpu.memory_space<hbm>>) target(%arg8 : memref<125x80xi32, #tpu.memory_space<vmem>>) target_semaphore(%run_scoped3A : memref<!tpu.dma_semaphore, #tpu.memory_space<semaphore_mem>>)
      %dma_wait3A = arith.constant 0 : i32
      %dma_wait3A_72 = arith.constant 0 : i32
      %dma_wait3A_73 = tpu.memref_slice %arg4[%add3A, %dma_wait3A, %dma_wait3A_72] : memref<32x125x80xi32, #tpu.memory_space<hbm>> -> memref<1x125x80xi32, #tpu.memory_space<hbm>>
      %dma_wait3A_74 = tpu.memref_squeeze %dma_wait3A_73 : memref<1x125x80xi32, #tpu.memory_space<hbm>> -> memref<125x80xi32, #tpu.memory_space<hbm>>
      %dma_wait3A_75 = arith.constant 0 : i32
      %dma_wait3A_76 = arith.constant 0 : i32
      %dma_wait3A_77 = tpu.memref_slice %arg4[%add3A, %dma_wait3A_75, %dma_wait3A_76] : memref<32x125x80xi32, #tpu.memory_space<hbm>> -> memref<1x125x80xi32, #tpu.memory_space<hbm>>
      %dma_wait3A_78 = tpu.memref_squeeze %dma_wait3A_77 : memref<1x125x80xi32, #tpu.memory_space<hbm>> -> memref<125x80xi32, #tpu.memory_space<hbm>>
      tpu.wait_dma2 semaphore(%run_scoped3A : memref<!tpu.dma_semaphore, #tpu.memory_space<semaphore_mem>>) src(%dma_wait3A_78 : memref<125x80xi32, #tpu.memory_space<hbm>>) dst(%arg8 : memref<125x80xi32, #tpu.memory_space<vmem>>)
      tpu.yield
    }) : () -> ()
    %scan3A_58 = arith.constant 0 : i32
    %scan3A_59 = arith.constant 0 : i32
    %scan3A_60 = arith.constant 125 : i32
    %scan3A_61 = arith.addi %scan3A_59, %scan3A_60 : i32
    %scan3A_62 = arith.constant 1 : i32
    scf.for %scan3A_65 = %scan3A_59 to %scan3A_61 step %scan3A_62  : i32 {
      %dma_start3A = arith.constant 0 : i32
      %dma_start3A_66 = tpu.memref_slice %arg7[%scan3A_65, %dma_start3A] : memref<125x80xi32, #tpu.memory_space<vmem>> -> memref<1x80xi32, #tpu.memory_space<vmem>>
      %dma_start3A_67 = tpu.memref_squeeze %dma_start3A_66 : memref<1x80xi32, #tpu.memory_space<vmem>> -> memref<80xi32, #tpu.memory_space<vmem>>
      %dma_start3A_68 = arith.constant 0 : i32
      %dma_start3A_69 = arith.constant 0 : i32
      %dma_start3A_70 = tpu.memref_slice %arg2[%dma_start3A_68, %dma_start3A_69] : memref<10240x128xf32, #tpu.memory_space<hbm>> -> memref<10240x128xf32, #tpu.memory_space<hbm>>
      tpu.enqueue_indirect_dma source(%dma_start3A_70 : memref<10240x128xf32, #tpu.memory_space<hbm>>) target(%arg9 : memref<80x128xf32, #tpu.memory_space<vmem>>) offsets(%dma_start3A_67 : memref<80xi32, #tpu.memory_space<vmem>>) semaphore(%arg14 : memref<!tpu.dma_semaphore, #tpu.memory_space<semaphore_mem>>)
      %dma_wait3A = arith.constant 0 : i32
      %dma_wait3A_71 = tpu.memref_slice %arg7[%scan3A_65, %dma_wait3A] : memref<125x80xi32, #tpu.memory_space<vmem>> -> memref<1x80xi32, #tpu.memory_space<vmem>>
      %dma_wait3A_72 = tpu.memref_squeeze %dma_wait3A_71 : memref<1x80xi32, #tpu.memory_space<vmem>> -> memref<80xi32, #tpu.memory_space<vmem>>
      %dma_wait3A_73 = arith.constant 0 : i32
      %dma_wait3A_74 = arith.constant 0 : i32
      %dma_wait3A_75 = tpu.memref_slice %arg2[%dma_wait3A_73, %dma_wait3A_74] : memref<10240x128xf32, #tpu.memory_space<hbm>> -> memref<10240x128xf32, #tpu.memory_space<hbm>>
      tpu.wait_indirect_dma semaphore(%arg14 : memref<!tpu.dma_semaphore, #tpu.memory_space<semaphore_mem>>) src(%dma_wait3A_75 : memref<10240x128xf32, #tpu.memory_space<hbm>>) dst(%arg9 : memref<80x128xf32, #tpu.memory_space<vmem>>)
      "tpu.region"() ({
        %run_scoped3A = tpu.sem_alloc : memref<!tpu.dma_semaphore, #tpu.memory_space<semaphore_mem>>
        %dma_start3A_76 = arith.constant 0 : i32
        %dma_start3A_77 = tpu.memref_slice %arg8[%scan3A_65, %dma_start3A_76] : memref<125x80xi32, #tpu.memory_space<vmem>> -> memref<1x80xi32, #tpu.memory_space<vmem>>
        %dma_start3A_78 = tpu.memref_squeeze %dma_start3A_77 : memref<1x80xi32, #tpu.memory_space<vmem>> -> memref<80xi32, #tpu.memory_space<vmem>>
        %dma_start3A_79 = arith.constant 0 : i32
        %dma_start3A_80 = arith.constant 0 : i32
        %dma_start3A_81 = tpu.memref_slice %arg12[%dma_start3A_79, %dma_start3A_80] : memref<10240x128xf32, #tpu.memory_space<vmem_shared>> -> memref<10240x128xf32, #tpu.memory_space<vmem_shared>>
        tpu.enqueue_indirect_dma source(%arg9 : memref<80x128xf32, #tpu.memory_space<vmem>>) target(%dma_start3A_81 : memref<10240x128xf32, #tpu.memory_space<vmem_shared>>) offsets(%dma_start3A_78 : memref<80xi32, #tpu.memory_space<vmem>>) semaphore(%run_scoped3A : memref<!tpu.dma_semaphore, #tpu.memory_space<semaphore_mem>>) {add = true}
        %dma_wait3A_82 = arith.constant 0 : i32
        %dma_wait3A_83 = tpu.memref_slice %arg8[%scan3A_65, %dma_wait3A_82] : memref<125x80xi32, #tpu.memory_space<vmem>> -> memref<1x80xi32, #tpu.memory_space<vmem>>
        %dma_wait3A_84 = tpu.memref_squeeze %dma_wait3A_83 : memref<1x80xi32, #tpu.memory_space<vmem>> -> memref<80xi32, #tpu.memory_space<vmem>>
        %dma_wait3A_85 = arith.constant 0 : i32
        %dma_wait3A_86 = arith.constant 0 : i32
        %dma_wait3A_87 = tpu.memref_slice %arg12[%dma_wait3A_85, %dma_wait3A_86] : memref<10240x128xf32, #tpu.memory_space<vmem_shared>> -> memref<10240x128xf32, #tpu.memory_space<vmem_shared>>
        tpu.wait_indirect_dma semaphore(%run_scoped3A : memref<!tpu.dma_semaphore, #tpu.memory_space<semaphore_mem>>) src(%arg9 : memref<80x128xf32, #tpu.memory_space<vmem>>) dst(%dma_wait3A_87 : memref<10240x128xf32, #tpu.memory_space<vmem_shared>>)
        tpu.yield
      }) : () -> ()
      "tpu.region"() ({
        %run_scoped3A = tpu.sem_alloc : memref<!tpu.dma_semaphore, #tpu.memory_space<semaphore_mem>>
        %dma_start3A_76 = arith.constant 0 : i32
        %dma_start3A_77 = tpu.memref_slice %arg8[%scan3A_65, %dma_start3A_76] : memref<125x80xi32, #tpu.memory_space<vmem>> -> memref<1x80xi32, #tpu.memory_space<vmem>>
        %dma_start3A_78 = tpu.memref_squeeze %dma_start3A_77 : memref<1x80xi32, #tpu.memory_space<vmem>> -> memref<80xi32, #tpu.memory_space<vmem>>
        %dma_start3A_79 = arith.constant 0 : i32
        %dma_start3A_80 = tpu.memref_slice %arg13[%dma_start3A_79] : memref<10240xf32, #tpu.memory_space<vmem_shared>> -> memref<10240xf32, #tpu.memory_space<vmem_shared>>
        tpu.enqueue_indirect_dma source(%arg10 : memref<80xf32, #tpu.memory_space<vmem>>) target(%dma_start3A_80 : memref<10240xf32, #tpu.memory_space<vmem_shared>>) offsets(%dma_start3A_78 : memref<80xi32, #tpu.memory_space<vmem>>) semaphore(%run_scoped3A : memref<!tpu.dma_semaphore, #tpu.memory_space<semaphore_mem>>) {add = true}
        %dma_wait3A_81 = arith.constant 0 : i32
        %dma_wait3A_82 = tpu.memref_slice %arg8[%scan3A_65, %dma_wait3A_81] : memref<125x80xi32, #tpu.memory_space<vmem>> -> memref<1x80xi32, #tpu.memory_space<vmem>>
        %dma_wait3A_83 = tpu.memref_squeeze %dma_wait3A_82 : memref<1x80xi32, #tpu.memory_space<vmem>> -> memref<80xi32, #tpu.memory_space<vmem>>
        %dma_wait3A_84 = arith.constant 0 : i32
        %dma_wait3A_85 = tpu.memref_slice %arg13[%dma_wait3A_84] : memref<10240xf32, #tpu.memory_space<vmem_shared>> -> memref<10240xf32, #tpu.memory_space<vmem_shared>>
        tpu.wait_indirect_dma semaphore(%run_scoped3A : memref<!tpu.dma_semaphore, #tpu.memory_space<semaphore_mem>>) src(%arg10 : memref<80xf32, #tpu.memory_space<vmem>>) dst(%dma_wait3A_85 : memref<10240xf32, #tpu.memory_space<vmem_shared>>)
        tpu.yield
      }) : () -> ()
    }
    %scan3A_63 = arith.constant 125 : i32
    %barrier3A_64 = arith.constant 0 : index
    tpu.barrier barrier_id(%barrier3A_64)
    "tpu.region"() ({
      %run_scoped3A = tpu.sem_alloc : memref<!tpu.dma_semaphore, #tpu.memory_space<semaphore_mem>>
      %dma_start3A = arith.constant 0 : i32
      %dma_start3A_65 = tpu.memref_slice %arg5[%arg0, %mul3A_41, %dma_start3A] : memref<2x10240x128xf32, #tpu.memory_space<hbm>> -> memref<1x640x128xf32, #tpu.memory_space<hbm>>
      %dma_start3A_66 = tpu.memref_squeeze %dma_start3A_65 : memref<1x640x128xf32, #tpu.memory_space<hbm>> -> memref<640x128xf32, #tpu.memory_space<hbm>>
      %dma_start3A_67 = arith.constant 0 : i32
      %dma_start3A_68 = tpu.memref_slice %arg12[%mul3A_41, %dma_start3A_67] : memref<10240x128xf32, #tpu.memory_space<vmem_shared>> -> memref<640x128xf32, #tpu.memory_space<vmem_shared>>
      tpu.enqueue_dma source(%dma_start3A_68 : memref<640x128xf32, #tpu.memory_space<vmem_shared>>) target(%dma_start3A_66 : memref<640x128xf32, #tpu.memory_space<hbm>>) target_semaphore(%run_scoped3A : memref<!tpu.dma_semaphore, #tpu.memory_space<semaphore_mem>>)
      %dma_wait3A = arith.constant 0 : i32
      %dma_wait3A_69 = tpu.memref_slice %arg5[%arg0, %mul3A_41, %dma_wait3A] : memref<2x10240x128xf32, #tpu.memory_space<hbm>> -> memref<1x640x128xf32, #tpu.memory_space<hbm>>
      %dma_wait3A_70 = tpu.memref_squeeze %dma_wait3A_69 : memref<1x640x128xf32, #tpu.memory_space<hbm>> -> memref<640x128xf32, #tpu.memory_space<hbm>>
      %dma_wait3A_71 = arith.constant 0 : i32
      %dma_wait3A_72 = tpu.memref_slice %arg12[%mul3A_41, %dma_wait3A_71] : memref<10240x128xf32, #tpu.memory_space<vmem_shared>> -> memref<640x128xf32, #tpu.memory_space<vmem_shared>>
      tpu.wait_dma2 semaphore(%run_scoped3A : memref<!tpu.dma_semaphore, #tpu.memory_space<semaphore_mem>>) src(%dma_wait3A_72 : memref<640x128xf32, #tpu.memory_space<vmem_shared>>) dst(%dma_wait3A_70 : memref<640x128xf32, #tpu.memory_space<hbm>>)
      tpu.yield
    }) : () -> ()
    "tpu.region"() ({
      %run_scoped3A = tpu.sem_alloc : memref<!tpu.dma_semaphore, #tpu.memory_space<semaphore_mem>>
      %dma_start3A = tpu.memref_slice %arg6[%arg0, %mul3A_41] : memref<2x10240xf32, #tpu.memory_space<hbm>> -> memref<1x640xf32, #tpu.memory_space<hbm>>
      %dma_start3A_65 = tpu.memref_squeeze %dma_start3A : memref<1x640xf32, #tpu.memory_space<hbm>> -> memref<640xf32, #tpu.memory_space<hbm>>
      %dma_start3A_66 = tpu.memref_slice %arg13[%mul3A_41] : memref<10240xf32, #tpu.memory_space<vmem_shared>> -> memref<640xf32, #tpu.memory_space<vmem_shared>>
      tpu.enqueue_dma source(%dma_start3A_66 : memref<640xf32, #tpu.memory_space<vmem_shared>>) target(%dma_start3A_65 : memref<640xf32, #tpu.memory_space<hbm>>) target_semaphore(%run_scoped3A : memref<!tpu.dma_semaphore, #tpu.memory_space<semaphore_mem>>)
      %dma_wait3A = tpu.memref_slice %arg6[%arg0, %mul3A_41] : memref<2x10240xf32, #tpu.memory_space<hbm>> -> memref<1x640xf32, #tpu.memory_space<hbm>>
      %dma_wait3A_67 = tpu.memref_squeeze %dma_wait3A : memref<1x640xf32, #tpu.memory_space<hbm>> -> memref<640xf32, #tpu.memory_space<hbm>>
      %dma_wait3A_68 = tpu.memref_slice %arg13[%mul3A_41] : memref<10240xf32, #tpu.memory_space<vmem_shared>> -> memref<640xf32, #tpu.memory_space<vmem_shared>>
      tpu.wait_dma2 semaphore(%run_scoped3A : memref<!tpu.dma_semaphore, #tpu.memory_space<semaphore_mem>>) src(%dma_wait3A_68 : memref<640xf32, #tpu.memory_space<vmem_shared>>) dst(%dma_wait3A_67 : memref<640xf32, #tpu.memory_space<hbm>>)
      tpu.yield
    }) : () -> ()
    return
  }
}

module attributes {stable_mosaic.version = 14 : i64} {
  func.func @_lin1_body(%arg0: i32, %arg1: memref<1024x128xf32, #tpu.memory_space<vmem>>, %arg2: memref<2x1024x128xf32, #tpu.memory_space<vmem>>, %arg3: memref<2x1024xf32, #tpu.memory_space<vmem>>, %arg4: memref<128x128xf32, #tpu.memory_space<vmem>>, %arg5: memref<128x128xf32, #tpu.memory_space<vmem>>, %arg6: memref<128xf32, #tpu.memory_space<vmem>>, %arg7: memref<1024x128xf32, #tpu.memory_space<vmem>>, %arg8: memref<1024xf32, #tpu.memory_space<vmem>>) attributes {dimension_semantics = [#tpu.dimension_semantics<arbitrary>], iteration_bounds = array<i64: 10>, scalar_prefetch = 0 : i64, scratch_operands = 0 : i64, tpu.core_type = #tpu.core_type<tc>, window_params = [{transform_indices = @transform_0, window_bounds = array<i64: 1024, 128>}, {transform_indices = @transform_1, window_bounds = array<i64: 2, 1024, 128>}, {transform_indices = @transform_2, window_bounds = array<i64: 2, 1024>}, {pipeline_mode = #tpu.pipeline_mode<synchronous>, transform_indices = @transform_3, window_bounds = array<i64: 128, 128>}, {pipeline_mode = #tpu.pipeline_mode<synchronous>, transform_indices = @transform_4, window_bounds = array<i64: 128, 128>}, {pipeline_mode = #tpu.pipeline_mode<synchronous>, transform_indices = @transform_5, window_bounds = array<i64: 128>}, {transform_indices = @transform_6, window_bounds = array<i64: 1024, 128>}, {transform_indices = @transform_7, window_bounds = array<i64: 1024>}]} {
    %get3A = arith.constant 0 : index
    %get3A_0 = arith.constant 0 : index
    %get3A_1 = vector.load %arg3[%get3A, %get3A_0] : memref<2x1024xf32, #tpu.memory_space<vmem>>, vector<1x1024xf32>
    %get3A_2 = vector.shape_cast %get3A_1 : vector<1x1024xf32> to vector<1024xf32>
    %get3A_3 = arith.constant 1 : index
    %get3A_4 = arith.constant 0 : index
    %get3A_5 = vector.load %arg3[%get3A_3, %get3A_4] : memref<2x1024xf32, #tpu.memory_space<vmem>>, vector<1x1024xf32>
    %get3A_6 = vector.shape_cast %get3A_5 : vector<1x1024xf32> to vector<1024xf32>
    %add3A = arith.addf %get3A_2, %get3A_6 : vector<1024xf32>
    %max3A = arith.constant 1.000000e+00 : f32
    %max3A_7 = vector.broadcast %max3A : f32 to vector<1024xf32>
    %max3A_8 = arith.maximumf %add3A, %max3A_7 : vector<1024xf32>
    %get3A_9 = arith.constant 0 : index
    %get3A_10 = arith.constant 0 : index
    %get3A_11 = arith.constant 0 : index
    %get3A_12 = vector.load %arg2[%get3A_9, %get3A_10, %get3A_11] : memref<2x1024x128xf32, #tpu.memory_space<vmem>>, vector<1x1024x128xf32>
    %get3A_13 = vector.shape_cast %get3A_12 : vector<1x1024x128xf32> to vector<1024x128xf32>
    %get3A_14 = arith.constant 1 : index
    %get3A_15 = arith.constant 0 : index
    %get3A_16 = arith.constant 0 : index
    %get3A_17 = vector.load %arg2[%get3A_14, %get3A_15, %get3A_16] : memref<2x1024x128xf32, #tpu.memory_space<vmem>>, vector<1x1024x128xf32>
    %get3A_18 = vector.shape_cast %get3A_17 : vector<1x1024x128xf32> to vector<1024x128xf32>
    %add3A_19 = arith.addf %get3A_13, %get3A_18 : vector<1024x128xf32>
    %broadcast_in_dim3A = vector.shape_cast %max3A_8 : vector<1024xf32> to vector<1024x1xf32>
    %div3A = vector.broadcast %broadcast_in_dim3A : vector<1024x1xf32> to vector<1024x128xf32>
    %div3A_20 = arith.divf %add3A_19, %div3A : vector<1024x128xf32>
    %get3A_21 = arith.constant 0 : index
    %get3A_22 = arith.constant 0 : index
    %get3A_23 = vector.load %arg4[%get3A_21, %get3A_22] : memref<128x128xf32, #tpu.memory_space<vmem>>, vector<128x128xf32>
    %dot_general3A = arith.constant dense<0.000000e+00> : vector<1024x128xf32>
    %dot_general3A_24 = tpu.matmul %div3A_20, %get3A_23, %dot_general3A {dimension_numbers = #tpu.dot_dimension_numbers<[1], [0], [0], [1], [0, 0, 1, 1], [], []>, transpose_lhs_hint = false} : vector<1024x128xf32>, vector<128x128xf32>, vector<1024x128xf32> -> vector<1024x128xf32>
    %get3A_25 = arith.constant 0 : index
    %get3A_26 = arith.constant 0 : index
    %get3A_27 = vector.load %arg1[%get3A_25, %get3A_26] : memref<1024x128xf32, #tpu.memory_space<vmem>>, vector<1024x128xf32>
    %get3A_28 = arith.constant 0 : index
    %get3A_29 = arith.constant 0 : index
    %get3A_30 = vector.load %arg5[%get3A_28, %get3A_29] : memref<128x128xf32, #tpu.memory_space<vmem>>, vector<128x128xf32>
    %dot_general3A_31 = arith.constant dense<0.000000e+00> : vector<1024x128xf32>
    %dot_general3A_32 = tpu.matmul %get3A_27, %get3A_30, %dot_general3A_31 {dimension_numbers = #tpu.dot_dimension_numbers<[1], [0], [0], [1], [0, 0, 1, 1], [], []>, transpose_lhs_hint = false} : vector<1024x128xf32>, vector<128x128xf32>, vector<1024x128xf32> -> vector<1024x128xf32>
    %add3A_33 = arith.addf %dot_general3A_24, %dot_general3A_32 : vector<1024x128xf32>
    %get3A_34 = arith.constant 0 : index
    %get3A_35 = vector.load %arg6[%get3A_34] : memref<128xf32, #tpu.memory_space<vmem>>, vector<128xf32>
    %broadcast_in_dim3A_36 = vector.shape_cast %get3A_35 : vector<128xf32> to vector<1x128xf32>
    %add3A_37 = vector.broadcast %broadcast_in_dim3A_36 : vector<1x128xf32> to vector<1024x128xf32>
    %add3A_38 = arith.addf %add3A_33, %add3A_37 : vector<1024x128xf32>
    %max3A_39 = arith.constant 0.000000e+00 : f32
    %max3A_40 = vector.broadcast %max3A_39 : f32 to vector<1024x128xf32>
    %max3A_41 = arith.maximumf %add3A_38, %max3A_40 : vector<1024x128xf32>
    %swap3A = arith.constant 0 : index
    %swap3A_42 = arith.constant 0 : index
    %swap3A_43 = vector.load %arg7[%swap3A, %swap3A_42] : memref<1024x128xf32, #tpu.memory_space<vmem>>, vector<1024x128xf32>
    tpu.vector_store %arg7[%swap3A, %swap3A_42], %max3A_41 {strides = array<i32>} : memref<1024x128xf32, #tpu.memory_space<vmem>>, vector<1024x128xf32>,
    %swap3A_44 = arith.constant 0 : index
    %swap3A_45 = vector.load %arg8[%swap3A_44] : memref<1024xf32, #tpu.memory_space<vmem>>, vector<1024xf32>
    tpu.vector_store %arg8[%swap3A_44], %max3A_8 {strides = array<i32>} : memref<1024xf32, #tpu.memory_space<vmem>>, vector<1024xf32>,
    return
  }
  func.func @transform_0(%arg0: i32) -> (i32, i32) {
    %c0_i32 = arith.constant 0 : i32
    %c0_i32_0 = arith.constant 0 : i32
    return %arg0, %c0_i32 : i32, i32
  }
  func.func @transform_1(%arg0: i32) -> (i32, i32, i32) {
    %c0_i32 = arith.constant 0 : i32
    %c0_i32_0 = arith.constant 0 : i32
    %c0_i32_1 = arith.constant 0 : i32
    return %c0_i32, %arg0, %c0_i32_0 : i32, i32, i32
  }
  func.func @transform_2(%arg0: i32) -> (i32, i32) {
    %c0_i32 = arith.constant 0 : i32
    %c0_i32_0 = arith.constant 0 : i32
    return %c0_i32, %arg0 : i32, i32
  }
  func.func @transform_3(%arg0: i32) -> (i32, i32) {
    %c0_i32 = arith.constant 0 : i32
    %c0_i32_0 = arith.constant 0 : i32
    %c0_i32_1 = arith.constant 0 : i32
    return %c0_i32, %c0_i32_0 : i32, i32
  }
  func.func @transform_4(%arg0: i32) -> (i32, i32) {
    %c0_i32 = arith.constant 0 : i32
    %c0_i32_0 = arith.constant 0 : i32
    %c0_i32_1 = arith.constant 0 : i32
    return %c0_i32, %c0_i32_0 : i32, i32
  }
  func.func @transform_5(%arg0: i32) -> i32 {
    %c0_i32 = arith.constant 0 : i32
    %c0_i32_0 = arith.constant 0 : i32
    return %c0_i32 : i32
  }
  func.func @transform_6(%arg0: i32) -> (i32, i32) {
    %c0_i32 = arith.constant 0 : i32
    %c0_i32_0 = arith.constant 0 : i32
    return %arg0, %c0_i32 : i32, i32
  }
  func.func @transform_7(%arg0: i32) -> i32 {
    %c0_i32 = arith.constant 0 : i32
    return %arg0 : i32
  }
}

module attributes {stable_mosaic.version = 14 : i64} {
  func.func @_lin2_body(%arg0: i32, %arg1: memref<1024x128xf32, #tpu.memory_space<vmem>>, %arg2: memref<2x1024x128xf32, #tpu.memory_space<vmem>>, %arg3: memref<1024xf32, #tpu.memory_space<vmem>>, %arg4: memref<128x128xf32, #tpu.memory_space<vmem>>, %arg5: memref<128x128xf32, #tpu.memory_space<vmem>>, %arg6: memref<128xf32, #tpu.memory_space<vmem>>, %arg7: memref<1024x128xf32, #tpu.memory_space<vmem>>) attributes {dimension_semantics = [#tpu.dimension_semantics<arbitrary>], iteration_bounds = array<i64: 10>, scalar_prefetch = 0 : i64, scratch_operands = 0 : i64, tpu.core_type = #tpu.core_type<tc>, window_params = [{transform_indices = @transform_0, window_bounds = array<i64: 1024, 128>}, {transform_indices = @transform_1, window_bounds = array<i64: 2, 1024, 128>}, {transform_indices = @transform_2, window_bounds = array<i64: 1024>}, {pipeline_mode = #tpu.pipeline_mode<synchronous>, transform_indices = @transform_3, window_bounds = array<i64: 128, 128>}, {pipeline_mode = #tpu.pipeline_mode<synchronous>, transform_indices = @transform_4, window_bounds = array<i64: 128, 128>}, {pipeline_mode = #tpu.pipeline_mode<synchronous>, transform_indices = @transform_5, window_bounds = array<i64: 128>}, {transform_indices = @transform_6, window_bounds = array<i64: 1024, 128>}]} {
    %get3A = arith.constant 0 : index
    %get3A_0 = arith.constant 0 : index
    %get3A_1 = arith.constant 0 : index
    %get3A_2 = vector.load %arg2[%get3A, %get3A_0, %get3A_1] : memref<2x1024x128xf32, #tpu.memory_space<vmem>>, vector<1x1024x128xf32>
    %get3A_3 = vector.shape_cast %get3A_2 : vector<1x1024x128xf32> to vector<1024x128xf32>
    %get3A_4 = arith.constant 1 : index
    %get3A_5 = arith.constant 0 : index
    %get3A_6 = arith.constant 0 : index
    %get3A_7 = vector.load %arg2[%get3A_4, %get3A_5, %get3A_6] : memref<2x1024x128xf32, #tpu.memory_space<vmem>>, vector<1x1024x128xf32>
    %get3A_8 = vector.shape_cast %get3A_7 : vector<1x1024x128xf32> to vector<1024x128xf32>
    %add3A = arith.addf %get3A_3, %get3A_8 : vector<1024x128xf32>
    %get3A_9 = arith.constant 0 : index
    %get3A_10 = vector.load %arg3[%get3A_9] : memref<1024xf32, #tpu.memory_space<vmem>>, vector<1024xf32>
    %broadcast_in_dim3A = vector.shape_cast %get3A_10 : vector<1024xf32> to vector<1024x1xf32>
    %div3A = vector.broadcast %broadcast_in_dim3A : vector<1024x1xf32> to vector<1024x128xf32>
    %div3A_11 = arith.divf %add3A, %div3A : vector<1024x128xf32>
    %get3A_12 = arith.constant 0 : index
    %get3A_13 = arith.constant 0 : index
    %get3A_14 = vector.load %arg4[%get3A_12, %get3A_13] : memref<128x128xf32, #tpu.memory_space<vmem>>, vector<128x128xf32>
    %dot_general3A = arith.constant dense<0.000000e+00> : vector<1024x128xf32>
    %dot_general3A_15 = tpu.matmul %div3A_11, %get3A_14, %dot_general3A {dimension_numbers = #tpu.dot_dimension_numbers<[1], [0], [0], [1], [0, 0, 1, 1], [], []>, transpose_lhs_hint = false} : vector<1024x128xf32>, vector<128x128xf32>, vector<1024x128xf32> -> vector<1024x128xf32>
    %get3A_16 = arith.constant 0 : index
    %get3A_17 = arith.constant 0 : index
    %get3A_18 = vector.load %arg1[%get3A_16, %get3A_17] : memref<1024x128xf32, #tpu.memory_space<vmem>>, vector<1024x128xf32>
    %get3A_19 = arith.constant 0 : index
    %get3A_20 = arith.constant 0 : index
    %get3A_21 = vector.load %arg5[%get3A_19, %get3A_20] : memref<128x128xf32, #tpu.memory_space<vmem>>, vector<128x128xf32>
    %dot_general3A_22 = arith.constant dense<0.000000e+00> : vector<1024x128xf32>
    %dot_general3A_23 = tpu.matmul %get3A_18, %get3A_21, %dot_general3A_22 {dimension_numbers = #tpu.dot_dimension_numbers<[1], [0], [0], [1], [0, 0, 1, 1], [], []>, transpose_lhs_hint = false} : vector<1024x128xf32>, vector<128x128xf32>, vector<1024x128xf32> -> vector<1024x128xf32>
    %add3A_24 = arith.addf %dot_general3A_15, %dot_general3A_23 : vector<1024x128xf32>
    %get3A_25 = arith.constant 0 : index
    %get3A_26 = vector.load %arg6[%get3A_25] : memref<128xf32, #tpu.memory_space<vmem>>, vector<128xf32>
    %broadcast_in_dim3A_27 = vector.shape_cast %get3A_26 : vector<128xf32> to vector<1x128xf32>
    %add3A_28 = vector.broadcast %broadcast_in_dim3A_27 : vector<1x128xf32> to vector<1024x128xf32>
    %add3A_29 = arith.addf %add3A_24, %add3A_28 : vector<1024x128xf32>
    %swap3A = arith.constant 0 : index
    %swap3A_30 = arith.constant 0 : index
    %swap3A_31 = vector.load %arg7[%swap3A, %swap3A_30] : memref<1024x128xf32, #tpu.memory_space<vmem>>, vector<1024x128xf32>
    tpu.vector_store %arg7[%swap3A, %swap3A_30], %add3A_29 {strides = array<i32>} : memref<1024x128xf32, #tpu.memory_space<vmem>>, vector<1024x128xf32>,
    return
  }
  func.func @transform_0(%arg0: i32) -> (i32, i32) {
    %c0_i32 = arith.constant 0 : i32
    %c0_i32_0 = arith.constant 0 : i32
    return %arg0, %c0_i32 : i32, i32
  }
  func.func @transform_1(%arg0: i32) -> (i32, i32, i32) {
    %c0_i32 = arith.constant 0 : i32
    %c0_i32_0 = arith.constant 0 : i32
    %c0_i32_1 = arith.constant 0 : i32
    return %c0_i32, %arg0, %c0_i32_0 : i32, i32, i32
  }
  func.func @transform_2(%arg0: i32) -> i32 {
    %c0_i32 = arith.constant 0 : i32
    return %arg0 : i32
  }
  func.func @transform_3(%arg0: i32) -> (i32, i32) {
    %c0_i32 = arith.constant 0 : i32
    %c0_i32_0 = arith.constant 0 : i32
    %c0_i32_1 = arith.constant 0 : i32
    return %c0_i32, %c0_i32_0 : i32, i32
  }
  func.func @transform_4(%arg0: i32) -> (i32, i32) {
    %c0_i32 = arith.constant 0 : i32
    %c0_i32_0 = arith.constant 0 : i32
    %c0_i32_1 = arith.constant 0 : i32
    return %c0_i32, %c0_i32_0 : i32, i32
  }
  func.func @transform_5(%arg0: i32) -> i32 {
    %c0_i32 = arith.constant 0 : i32
    %c0_i32_0 = arith.constant 0 : i32
    return %c0_i32 : i32
  }
  func.func @transform_6(%arg0: i32) -> (i32, i32) {
    %c0_i32 = arith.constant 0 : i32
    %c0_i32_0 = arith.constant 0 : i32
    return %arg0, %c0_i32 : i32, i32
  }
}

</mosaic_0001>

<sc_bundles>
// kernel: kernel.6.cloned.1.call-start
scs
__scs_entry_jumppad:
0x0: {  	(pc) =	sbr.rel $0x88, $3  }
0x1: {  	(tag) =	ssettag $0x0;
	lr =	simm.s32 $0x1  }
0x2: {  	[smem:$0x3F99] =	sst lr;
	_ =	strace $0xD0000000  }
0x3: {  	_ = 	snop  }
0x4: {  	_ = 	snop  }
0x5: {  	_ = 	snop  }
0x6: {  	_ = 	snop  }
0x7: {  	_ = 	snop  }
__scs_overlays_trampoline_lowered:
0x8: {  	[smem:$0x3FA8] =	sst s0  }
0x9: {  	[smem:$0x3FA9] =	sst s1  }
0xa: {  	[smem:$0x3FAA] =	sst s2  }
0xb: {  	[smem:$0x3FAB] =	sst s3  }
0xc: {  	[smem:$0x3FAC] =	sst s4  }
0xd: {  	[smem:$0x3FAD] =	sst s5  }
0xe: {  	[smem:$0x3FAE] =	sst s6  }
0xf: {  	[smem:$0x3FAF] =	sst s7  }
0x10: {  	[smem:$0x3FB0] =	sst s8  }
0x11: {  	[smem:$0x3FB1] =	sst s9;
	s0 =	simm.s32 @!p0 $0x0  }
0x12: {  	s1 =	sld [smem:$0x3F97];
	s0 =	simm.s32 @p0 $0x1  }
0x13: {  	[smem:$0x3FB2] =	sst s0;
	s0 =	simm.s32 @!p1 $0x0  }
0x14: {  	s2 =	sld [smem:$0x3F96];
	s0 =	simm.s32 @p1 $0x1  }
0x15: {  	[smem:$0x3FB3] =	sst s0;
	s0 =	simm.s32 @!p2 $0x0  }
0x16: {  	s3 =	sld [smem:$0x3FDB];
	s0 =	simm.s32 @p2 $0x1  }
0x17: {  	s4 =	simm.s32 $0x1BF5;
	[smem:$0x3FB5] =	sst s0  }
0x18: {  	s0 =	sld [smem:$0x3F98];
	_ =	swait.ge [sflag:s4], $0x0  }
0x19: {  	s7 =	sld [smem:$0x3F99]  }
0x1a: {  	s8 =	sadd.s32 $0xFFFFE003, lr  }
0x1b: {  	s9 =	sadd.s32 $0xFFFFFEF7, lr;
	s5 =	simm.s32 $0xFFFFFFFF;
	p2 =	slt.u32 s8, $0xFFFFF086  }
0x1c: {  	p1 =	slt.u32 s9, $0xF7A;
	s5 =	simm.s32 @!p2 $0x0  }
0x1d: {  	s5 =	simm.s32 @p1 $0x1;
	p0 =	seq.s32 s7, s2  }
0x1e: {  	s7 =	smul.u32 @!p0 $0xF7A, s2;
	p2 =	seq.s32 @!p0 s5, $0x0  }
0x1f: {  	s9 =	smul.u32 $0xF7A, s1;
	s8 =	simm.s32 @!p0 $0x1BF5;
	p2 =	por !p2, p0  }
0x20: {  	[sflag:s8] =	ssyncset.s32 @!p0 $0xFFFFF086;
	s6 =	sadd.s32 @!p0 s3, s7;
	s7 =	simm.s32 @!p0 $0x108  }
0x21: {  	s3 =	sadd.s32 s3, s9;
	s6 =	sadd.s32 @!p0 $0x88, s6;
	s7 =	simm.s32 @p2 $0x1082  }
0x22: {  	[simem:s7], [sflag:s8] =	dma.local @!p0 [hbm:s6], $0xF7A  }
0x23: {  	s9 =	sor.u32 $0xD0000000, s2;
	s6 =	simm.s32 $0x108;
	_ =	swait.ge @!p0 [sflag:s8], $0x0  }
0x24: {  	s3 =	sadd.s32 $0x88, s3;
	s6 =	simm.s32 @!p1 $0x1082;
	[sflag:s4] =	ssyncset.s32 $0xFFFFF086  }
0x25: {  	[simem:s6], [sflag:s4] =	dma.local [hbm:s3], $0xF7A  }
0x26: {  	[smem:$0x3F99] =	sst s1;
	(tag) =	ssettag s2;
	_ =	strace s9  }
0x27: {  	s1 =	sld [smem:$0x3FA9]  }
0x28: {  	s2 =	sld [smem:$0x3FAA]  }
0x29: {  	s4 =	sld [smem:$0x3FAC]  }
0x2a: {  	p0 =	seq.s32 s5, $0x0;
	s5 =	sld [smem:$0x3FAD]  }
0x2b: {  	s6 =	sld [smem:$0x3FAE]  }
0x2c: {  	s7 =	sld [smem:$0x3FAF]  }
0x2d: {  	s3 =	simm.s32 $0x108;
	s8 =	sld [smem:$0x3FB0]  }
0x2e: {  	s3 =	simm.s32 @!p0 $0x1082;
	s9 =	sld [smem:$0x3FB1]  }
0x2f: {  	lr =	sadd.s32 s0, s3;
	s0 =	sld [smem:$0x3FA8]  }
0x30: {  	s3 =	sld [smem:$0x3FAB]  }
0x31: {  	[smem:$0x3FB4] =	sst s10  }
0x32: {  	s10 =	sld [smem:$0x3FB2];
	_ =	sdelay $0x3  }
0x33: {  	p0 =	seq.s32 s10, $0x1;
	s10 =	sld [smem:$0x3FB4];
	_ =	sdelay $0x3  }
0x34: {  	[smem:$0x3FB4] =	sst s10  }
0x35: {  	s10 =	sld [smem:$0x3FB3];
	_ =	sdelay $0x3  }
0x36: {  	p1 =	seq.s32 s10, $0x1;
	s10 =	sld [smem:$0x3FB4];
	_ =	sdelay $0x3  }
0x37: {  	[smem:$0x3FB4] =	sst s10  }
0x38: {  	s10 =	sld [smem:$0x3FB5]  }
0x39: {  	_ = 	snop;
	(pc) =	sbr.ind lr, $3  }
0x3a: {  	_ = 	snop  }
0x3b: {  	_ = 	snop  }
0x3c: {  	p2 =	seq.s32 s10, $0x1;
	s10 =	sld [smem:$0x3FB4]  }
0x3d: {  	_ =	shalt  }
0x3e: {  	_ =	shalt  }
0x3f: {  	_ =	shalt  }
0x40: {  	_ =	shalt  }
0x41: {  	_ =	shalt  }
0x42: {  	_ =	shalt  }
0x43: {  	_ =	shalt  }
0x44: {  	_ =	shalt  }
0x45: {  	_ =	shalt  }
0x46: {  	_ =	shalt  }
0x47: {  	_ =	shalt  }
0x48: {  	_ =	shalt  }
0x49: {  	_ =	shalt  }
0x4a: {  	_ =	shalt  }
0x4b: {  	_ =	shalt  }
0x4c: {  	_ =	shalt  }
0x4d: {  	_ =	shalt  }
0x4e: {  	_ =	shalt  }
0x4f: {  	_ =	shalt  }
0x50: {  	_ =	shalt  }
0x51: {  	_ =	shalt  }
0x52: {  	_ =	shalt  }
0x53: {  	_ =	shalt  }
0x54: {  	_ =	shalt  }
0x55: {  	_ =	shalt  }
0x56: {  	_ =	shalt  }
0x57: {  	_ =	shalt  }
0x58: {  	_ =	shalt  }
0x59: {  	_ =	shalt  }
0x5a: {  	_ =	shalt  }
0x5b: {  	_ =	shalt  }
0x5c: {  	_ =	shalt  }
0x5d: {  	_ =	shalt  }
0x5e: {  	_ =	shalt  }
0x5f: {  	_ =	shalt  }
0x60: {  	_ =	shalt  }
0x61: {  	_ =	shalt  }
0x62: {  	_ =	shalt  }
0x63: {  	_ =	shalt  }
0x64: {  	_ =	shalt  }
0x65: {  	_ =	shalt  }
0x66: {  	_ =	shalt  }
0x67: {  	_ =	shalt  }
0x68: {  	_ =	shalt  }
0x69: {  	_ =	shalt  }
0x6a: {  	_ =	shalt  }
0x6b: {  	_ =	shalt  }
0x6c: {  	_ =	shalt  }
0x6d: {  	_ =	shalt  }
0x6e: {  	_ =	shalt  }
0x6f: {  	_ =	shalt  }
0x70: {  	_ =	shalt  }
0x71: {  	_ =	shalt  }
0x72: {  	_ =	shalt  }
0x73: {  	_ =	shalt  }
0x74: {  	_ =	shalt  }
0x75: {  	_ =	shalt  }
0x76: {  	_ =	shalt  }
0x77: {  	_ =	shalt  }
0x78: {  	_ =	shalt  }
0x79: {  	_ =	shalt  }
0x7a: {  	_ =	shalt  }
0x7b: {  	_ =	shalt  }
0x7c: {  	_ =	shalt  }
0x7d: {  	_ =	shalt  }
0x7e: {  	_ =	shalt  }
0x7f: {  	_ =	shalt  }
0x80: {  	_ =	shalt  }
0x81: {  	_ =	shalt  }
0x82: {  	_ =	shalt  }
0x83: {  	_ =	shalt  }
0x84: {  	_ =	shalt  }
0x85: {  	_ =	shalt  }
0x86: {  	_ =	shalt  }
0x87: {  	_ =	shalt  }
.Lfunc_end0:
.L_simem_size_0:
called_computation_lowered:
.L_overlay_start_0:
0x88: {  	s2 =	sld [smem:$0x3FD9]  }
0x89: {  	s3 =	sld [smem:$0x3FFE];
	_ =	sdelay $0x1  }
0x8a: {  	s1 =	srdreg.scid  }
0x8b: {  	s0 =	sand.u32 $0x1, s1  }
0x8c: {  	s17 =	sshll.u32 s0, $0xA;
	s2 =	sadd.s32 s3, s2  }
0x8d: {  	s2 =	sadd.s32 s2, s17  }
0x8e: {  	[smem:$0x3FC0] =	sst s2  }
0x8f: {  	_ = 	snop  }
0x90: {  	s2 =	sld [smem:$0x3FD0];
	(tm) =	ssettm $0x1  }
0x91: {  	s18 =	sld [smem:$0x3FFB];
	_ =	sdelay $0x3  }
0x92: {  	_ =	strace s18  }
0x93: {  	s3 =	sld [smem:$0x3FFC];
	_ =	sdelay $0x3  }
0x94: {  	_ =	strace s3  }
0x95: {  	s3 =	sld [smem:$0x3FFD];
	_ =	sdelay $0x3  }
0x96: {  	_ =	strace s3  }
0x97: {  	_ =	strace $0x8FFFFFFF  }
0x98: {  	s19 =	sld [smem:$0x3FDB];
	_ =	sdelay $0x1  }
0x99: {  	s4 =	simm.s32 $_scs_section_size  }
0x9a: {  	s5 =	simm.s32 $_size__tile_overlayer_lowered;
	s6 =	simm.s32 $_tile_overlayer_lowered  }
0x9b: {  	s22 =	simm.s32 $0x1BFF;
	s21 =	sshll.u32 s6, $0x1;
	s3 =	sadd.s32 s4, s19  }
0x9c: {  	s7 =	simm.s32 $0x0;
	s20 =	sshll.u32 s5, $0x1;
	s5 =	sadd.s32 s21, s3  }
0x9d: {  	[timem:s7], [sflag:s22] =	dma.local [hbm:s5], s20  }
0x9e: {  	_ =	swait.ge [sflag:s22], s20  }
0x9f: {  	s4 =	ssub.s32 $0x0, s20;
	[sflag:s22] =	ssyncset.done $0x0  }
0xa0: {  	[sflag:s22] =	ssyncadd.s32 s4;
	_ =	sdelay $0x1  }
0xa1: {  	s23 =	simm.s32 $0x1B8B  }
0xa2: {  	_ =	swait.ge [sflag:s23], $0x1  }
0xa3: {  	[sflag:s23] =	ssyncset.done $0x0  }
0xa4: {  	s25 =	simm.s32 $0x1B8E;
	s24 =	sld [smem:$0x3FFE];
	[sflag:s23] =	ssyncadd.s32 $0xFFFFFFFF  }
0xa5: {  	s26 =	simm.s32 $execute0_lowered;
	[smem:$0x3FD2] =	sst s25  }
0xa6: {  	s5 =	sshll.u32 s26, $0x1;
	_ =	strace $0x80000046;
	[dreg:$0x1] =	wrdreg $0xFFFFFFFF  }
0xa7: {  	s28 =	simm.s32 $_size_execute0_lowered;
	s3 =	sadd.s32 s3, s5;
	[dreg:$0x0] =	wrdreg $0x0  }
0xa8: {  	s5 =	sshll.u32 s28, $0x1;
	[dreg:$0x2] =	wrdreg s3  }
0xa9: {  	[dreg:$0x3] =	wrdreg s5  }
0xaa: {  	[dreg:$0x4] =	wrdreg $0xC0  }
0xab: {  	_ =	task [dreg:s7], $0x5FFFF  }
0xac: {  	[dreg:$0x1] =	wrdreg $0xFFFFFFFF  }
0xad: {  	[dreg:$0x0] =	wrdreg $0x60  }
0xae: {  	[dreg:$0x2] =	wrdreg s24  }
0xaf: {  	[dreg:$0x3] =	wrdreg s2  }
0xb0: {  	[dreg:$0x4] =	wrdreg $0xAB000  }
0xb1: {  	[dreg:$0x5] =	wrdreg $0x1EB000  }
0xb2: {  	[dreg:$0x6] =	wrdreg $0x9  }
0xb3: {  	_ =	task.clear_ibuf [dreg:s7], $0x7FFFF;
	_ =	strace $0x90000046  }
0xb4: {  	s29 =	simm.s32 $0x9;
	_ =	strace $0x80000048  }
0xb5: {  	_ =	swait.ge [sflag:s29], $0x1  }
0xb6: {  	[sflag:s29] =	ssyncadd.s32 $0xFFFFFFFF  }
0xb7: {  	_ =	strace $0x90000048  }
0xb8: {  	_ =	sfence  }
0xb9: {  	s30 =	sld [smem:$0x0];
	_ =	sdelay $0x2  }
0xba: {  	s31 =	sshll.u32 s1, $0xD;
	s1 =	sshrl.u32 s1, $0x2  }
0xbb: {  	s3 =	sand.u32 $0x4000, s31;
	s1 =	sadd.s32 s1, s30  }
0xbc: {  	s0 =	sor.u32 s3, s0;
	s1 =	sshll.u32 s1, $0x11  }
0xbd: {  	s0 =	sor.u32 s1, s0  }
0xbe: {  	s0 =	sadd.s32 $0x8F2B, s0  }
0xbf: {  	[sflag:s0] =	ssyncadd.remote.s32 $0x1  }
0xc0: {  	_ =	sfence.sel $0xFFFF  }
0xc1: {  	[dreg:$0x0] =	wrdreg $0xFFFFFFFF;
	(pc) =	sbr.abs _section_cstart, $3  }
0xc2: {  	[dreg:$0x1] =	wrdreg $0xFFFFFFFF  }
0xc3: {  	_ =	task.clear_ibuf [dreg:s7], $0x2FFFF;
	_ =	strace $0x9FFFFFFF  }
0xc4: {  	(tm) =	ssettm $0x7FFFFFFF  }
0xc5: {  	_ =	shalt  }
tec
execute0_lowered:
.L_overlay_start_1:
0x0: {  	(tag) =	ssettag $0x1  }
0x1: {  	s6 =	rddreg [dreg:$0x0]  }
0x2: {  	s15 =	rddreg [dreg:$0x1]  }
0x3: {  	s1 =	rddreg [dreg:$0x2]  }
0x4: {  	s2 =	rddreg [dreg:$0x3]  }
0x5: {  	s4 =	simm.s32 $0x0;
	s3 =	srdreg.scid;
	s0 =	stileid.u32  }
0x6: {  	s21 =	simm.s32 $0x2;
	s22 =	simm.s32 $0xA880;
	s11 =	smul.u32 $0x14000, s0  }
0x7: {  	s28 =	simm.s32 $0x20;
	s29 =	simm.s32 $0x10;
	s23 =	smul.u32 $0x500, s0  }
0x8: {  	[smem:$0x7FF] =	sst s4;
	s7 =	sand.u32 $0x1, s3;
	s25 =	smul.u32 $0x50000, s0  }
0x9: {  	s9 =	sshll.u32 s0, $0xC;
	s5 =	sadd.s32 $0x12C00, s6;
	s14 =	smul.u32 $0xA00, s0  }
0xa: {  	s8 =	smul.u32 $0x140000, s7;
	s10 =	sshll.u32 s7, $0xB;
	_ =	strace $0x80000047  }
0xb: {  	s24 =	sshll.u32 s7, $0x7;
	s7 =	ssub.s32 $0x2, s7;
	s16 =	sor.u32 s10, s9  }
0xc: {  	s26 =	sor.u32 s24, s23;
	s30 =	sshrl.u32 s7, $0x1;
	s31 =	sshrl.u32 s25, $0x2  }
0xd: {  	s14 =	sshrl.u32 s14, $0x2;
	s23 =	simm.s32 $0x4000;
	s24 =	simm.s32 $0x50  }
0xe: {  	s25 =	simm.s32 $0x1;
	s17 =	sadd.s32 s16, s6;
	s8 =	sadd.s32 s11, s8  }
0xf: {  	s20 =	ssub.s32 s7, s30;
	s14 =	sadd.s32 s14, s2;
	s8 =	sshrl.u32 s8, $0x3  }
0x10: {  	s15 =	sadd.s32 s15, s16;
	s18 =	sadd.s32 s8, s6;
	s8 =	sshrl.u32 s26, $0x3  }
0x11: {  	s16 =	sadd.s32 $0x2C00, s17;
	s19 =	sadd.s32 s8, s6;
	s6 =	sadd.s32 s31, s1  }
0x12: {  	s26 =	simm.s32 $0xA800;
	s17 =	sadd.s32 $0x3AC00, s18;
	s7 =	sadd.s32 $0x2800, s6  }
0x13: {  	s8 =	sadd.s32 $0x5000, s6;
	s9 =	sadd.s32 $0x7800, s6;
	s10 =	sadd.s32 $0xA000, s6  }
0x14: {  	s11 =	sadd.s32 $0xC800, s6;
	s12 =	sadd.s32 $0xF000, s6;
	s13 =	sadd.s32 $0x11800, s6  }
0x15: {  	v0 =	vimm.f32 $0.0e+00;
	v1 =	vimm.f32 $1.000000000e+00;
	s18 =	sadd.s32 $0x8AC00, s19;
	s19 =	smax.u32 s20, $0x1;
	s20 =	simm.s32 $0x8000  }
.LBB2_1:
0x16: {  	s30 =	simm.s32 $0x0;
	s31 =	simm.s32 $0x200  }
.LBB2_2:
0x17: {  	p0 =	sne.s32 s31, $0x9E00;
	[tilespmem:s30+$0x8070] =	vst v0  }
0x18: {  	[tilespmem:s30+$0x8000] =	vst v0  }
0x19: {  	[tilespmem:s30+$0x8010] =	vst v0  }
.Ltmp0:
0x1a: {  	[tilespmem:s30+$0x8020] =	vst v0;
	(pc) =	sbr.rel @p0 .LBB2_2-.Ltmp0, $4  }
0x1b: {  	[tilespmem:s30+$0x8030] =	vst v0  }
0x1c: {  	[tilespmem:s30+$0x8040] =	vst v0  }
0x1d: {  	[tilespmem:s30+$0x8050] =	vst v0  }
0x1e: {  	[tilespmem:s30+$0x8060] =	vst v0;
	s30 =	sshra.s32 s31, $0x2;
	s31 =	sadd.s32 $0x200, s31  }
0x1f: {  	[tilespmem:s30+$0x8070] =	vst v0  }
0x20: {  	[tilespmem:s30+$0x8000] =	vst v0  }
0x21: {  	[tilespmem:s30+$0x8010] =	vst v0  }
0x22: {  	[tilespmem:s30+$0x8020] =	vst v0  }
0x23: {  	[tilespmem:s30+$0x8030] =	vst v0  }
0x24: {  	[tilespmem:s30+$0x8040] =	vst v0  }
0x25: {  	[tilespmem:s30+$0x8050] =	vst v0  }
0x26: {  	[tilespmem:s30+$0x8060] =	vst v0  }
0x27: {  	[tilespmem:$0xA880] =	vst v0  }
0x28: {  	[tilespmem:$0xA890] =	vst v0  }
0x29: {  	[tilespmem:$0xA8A0] =	vst v0  }
0x2a: {  	[tilespmem:$0xA8B0] =	vst v0  }
0x2b: {  	[tilespmem:$0xA8C0] =	vst v0  }
0x2c: {  	[tilespmem:$0xA8D0] =	vst v0  }
0x2d: {  	[tilespmem:$0xA8E0] =	vst v0  }
0x2e: {  	[tilespmem:$0xA8F0] =	vst v0  }
0x2f: {  	[tilespmem:$0xA900] =	vst v0  }
0x30: {  	[tilespmem:$0xA910] =	vst v0  }
0x31: {  	[tilespmem:$0xA920] =	vst v0  }
0x32: {  	[tilespmem:$0xA930] =	vst v0  }
0x33: {  	[tilespmem:$0xA940] =	vst v0  }
0x34: {  	[tilespmem:$0xA950] =	vst v0  }
0x35: {  	[tilespmem:$0xA960] =	vst v0  }
0x36: {  	[tilespmem:$0xA970] =	vst v0  }
0x37: {  	[tilespmem:$0xA980] =	vst v0  }
0x38: {  	[tilespmem:$0xA990] =	vst v0  }
0x39: {  	[tilespmem:$0xA9A0] =	vst v0  }
0x3a: {  	[tilespmem:$0xA9B0] =	vst v0  }
0x3b: {  	[tilespmem:$0xA9C0] =	vst v0  }
0x3c: {  	[tilespmem:$0xA9D0] =	vst v0  }
0x3d: {  	[tilespmem:$0xA9E0] =	vst v0  }
0x3e: {  	[tilespmem:$0xA9F0] =	vst v0  }
0x3f: {  	[tilespmem:$0xAA00] =	vst v0  }
0x40: {  	[tilespmem:$0xAA10] =	vst v0  }
0x41: {  	[tilespmem:$0xAA20] =	vst v0  }
0x42: {  	[tilespmem:$0xAA30] =	vst v0  }
0x43: {  	[tilespmem:$0xAA40] =	vst v0  }
0x44: {  	[tilespmem:$0xAA50] =	vst v0  }
0x45: {  	[tilespmem:$0xAA60] =	vst v0  }
0x46: {  	[tilespmem:$0xAA70] =	vst v0  }
0x47: {  	[tilespmem:$0xAA80] =	vst v0  }
0x48: {  	[tilespmem:$0xAA90] =	vst v0  }
0x49: {  	[tilespmem:$0xAAA0] =	vst v0  }
0x4a: {  	[tilespmem:$0xAAB0] =	vst v0  }
0x4b: {  	[tilespmem:$0xAAC0] =	vst v0  }
0x4c: {  	[tilespmem:$0xAAD0] =	vst v0  }
0x4d: {  	[tilespmem:$0xAAE0] =	vst v0  }
0x4e: {  	[tilespmem:$0xAAF0] =	vst v0  }
0x4f: {  	[tilespmem:$0xA800] =	vst v1  }
0x50: {  	[tilespmem:$0xA810] =	vst v1  }
0x51: {  	[tilespmem:$0xA820] =	vst v1  }
0x52: {  	[tilespmem:$0xA830] =	vst v1  }
0x53: {  	[tilespmem:$0xA840] =	vst v1  }
0x54: {  	[spmem:s6] =	stream.linear.scatter [tilespmem:s20], [sflag:$0x2], $0x2800, $0x38;
	[tilespmem:$0x1ED80] =	vst v63  }
0x55: {  	_ =	swait.ge [sflag:s21], $0x2800  }
0x56: {  	[sflag:s21] =	ssyncset.done $0x0  }
0x57: {  	[sflag:s21] =	ssyncadd.s32 $0xFFFFD800  }
0x58: {  	[spmem:s7] =	stream.linear.scatter [tilespmem:s20], [sflag:$0x2], $0x2800, $0x38;
	[tilespmem:$0x1ED80] =	vst v63  }
0x59: {  	_ =	swait.ge [sflag:s21], $0x2800  }
0x5a: {  	[sflag:s21] =	ssyncset.done $0x0  }
0x5b: {  	[sflag:s21] =	ssyncadd.s32 $0xFFFFD800  }
0x5c: {  	[spmem:s8] =	stream.linear.scatter [tilespmem:s20], [sflag:$0x2], $0x2800, $0x38;
	[tilespmem:$0x1ED80] =	vst v63  }
0x5d: {  	_ =	swait.ge [sflag:s21], $0x2800  }
0x5e: {  	[sflag:s21] =	ssyncset.done $0x0  }
0x5f: {  	[sflag:s21] =	ssyncadd.s32 $0xFFFFD800  }
0x60: {  	[spmem:s9] =	stream.linear.scatter [tilespmem:s20], [sflag:$0x2], $0x2800, $0x38;
	[tilespmem:$0x1ED80] =	vst v63  }
0x61: {  	_ =	swait.ge [sflag:s21], $0x2800  }
0x62: {  	[sflag:s21] =	ssyncset.done $0x0  }
0x63: {  	[sflag:s21] =	ssyncadd.s32 $0xFFFFD800  }
0x64: {  	[spmem:s10] =	stream.linear.scatter [tilespmem:s20], [sflag:$0x2], $0x2800, $0x38;
	[tilespmem:$0x1ED80] =	vst v63  }
0x65: {  	_ =	swait.ge [sflag:s21], $0x2800  }
0x66: {  	[sflag:s21] =	ssyncset.done $0x0  }
0x67: {  	[sflag:s21] =	ssyncadd.s32 $0xFFFFD800  }
0x68: {  	[spmem:s11] =	stream.linear.scatter [tilespmem:s20], [sflag:$0x2], $0x2800, $0x38;
	[tilespmem:$0x1ED80] =	vst v63  }
0x69: {  	_ =	swait.ge [sflag:s21], $0x2800  }
0x6a: {  	[sflag:s21] =	ssyncset.done $0x0  }
0x6b: {  	[sflag:s21] =	ssyncadd.s32 $0xFFFFD800  }
0x6c: {  	[spmem:s12] =	stream.linear.scatter [tilespmem:s20], [sflag:$0x2], $0x2800, $0x38;
	[tilespmem:$0x1ED80] =	vst v63  }
0x6d: {  	_ =	swait.ge [sflag:s21], $0x2800  }
0x6e: {  	[sflag:s21] =	ssyncset.done $0x0  }
0x6f: {  	[sflag:s21] =	ssyncadd.s32 $0xFFFFD800  }
0x70: {  	[spmem:s13] =	stream.linear.scatter [tilespmem:s20], [sflag:$0x2], $0x2800, $0x38;
	[tilespmem:$0x1ED80] =	vst v63  }
0x71: {  	_ =	swait.ge [sflag:s21], $0x2800  }
0x72: {  	[sflag:s21] =	ssyncset.done $0x0  }
0x73: {  	[sflag:s21] =	ssyncadd.s32 $0xFFFFD800  }
0x74: {  	[spmem:s14] =	stream.linear.scatter [tilespmem:s22], [sflag:$0x2], $0x280, $0x38;
	[tilespmem:$0x1ED80] =	vst v63  }
0x75: {  	_ =	swait.ge [sflag:s21], $0x280  }
0x76: {  	[sflag:s21] =	ssyncset.done $0x0  }
0x77: {  	[sflag:s21] =	ssyncadd.s32 $0xFFFFFD80  }
0x78: {  	s30 =	simm.s32 $0x0;
	[bflag:$0x0] =	sbarrier.arrive $0xFFFF  }
0x79: {  	[tilespmem:s30], [sflag:$0x2] =	stream.linear.gather [hbm4b:s15+s30], $0x3E80, $0x38;
	[tilespmem:$0x1ED80] =	vst v63  }
0x7a: {  	_ =	swait.ge [sflag:s21], $0x3E80  }
0x7b: {  	[sflag:s21] =	ssyncset.done $0x0  }
0x7c: {  	[sflag:s21] =	ssyncadd.s32 $0xFFFFC180  }
0x7d: {  	[tilespmem:s23], [sflag:$0x2] =	stream.linear.gather [hbm4b:s16+s30], $0x3E80, $0x38;
	[tilespmem:$0x1ED80] =	vst v63  }
0x7e: {  	_ =	swait.ge [sflag:s21], $0x3E80  }
0x7f: {  	[sflag:s21] =	ssyncset.done $0x0  }
0x80: {  	s30 =	simm.s32 $0x0;
	[sflag:s21] =	ssyncadd.s32 $0xFFFFC180  }
0x81: {  	[tilespmem:s20], [sflag:$0x1] =	stream.indirect.gather [hbm4b:s5+s24], $0x80, s30, s24, $0xb8;
	[tilespmem:$0x1ED80] =	vst v63  }
0x82: {  	_ =	swait.ge [sflag:s25], $0x2800  }
0x83: {  	[sflag:s25] =	ssyncset.done $0x0  }
0x84: {  	s30 =	simm.s32 $0x4000;
	[sflag:s25] =	ssyncadd.s32 $0xFFFFD800  }
0x85: {  	[spmem:s1] =	stream.indirect.scatter.add.f32 [tilespmem:s20], [sflag:$0x2], $0x80, s30, s24, $0xb8;
	[tilespmem:$0x1ED80] =	vst v63  }
0x86: {  	_ =	swait.ge [sflag:s21], $0x2800  }
0x87: {  	[sflag:s21] =	ssyncset.done $0x0  }
0x88: {  	[sflag:s21] =	ssyncadd.s32 $0xFFFFD800  }
0x89: {  	[spmem:s2] =	stream.indirect.scatter.add.f32 [tilespmem:s26], [sflag:$0x2], $0x1, s30, s24, $0xb8;
	[tilespmem:$0x1ED80] =	vst v63  }
0x8a: {  	_ =	swait.ge [sflag:s21], $0x50  }
0x8b: {  	s31 =	simm.s32 $0x400;
	s30 =	simm.s32 $0x200;
	[sflag:s21] =	ssyncset.done $0x0  }
.LBB2_4:
0x8c: {  	s0 =	sshra.s32 s30, $0x2  }
0x8d: {  	[sflag:s21] =	ssyncadd.s32 $0xFFFFFFB0;
	s30 =	smov.u32 s31;
	s3 =	sadd.s32 $0x200, s31  }
0x8e: {  	[tilespmem:s20], [sflag:$0x1] =	stream.indirect.gather [hbm4b:s5+s24], $0x80, s0, s24, $0xb8;
	[tilespmem:$0x1ED80] =	vst v63  }
0x8f: {  	p0 =	sne.s32 s31, $0xF800;
	_ =	swait.ge [sflag:s25], $0x2800  }
0x90: {  	[sflag:s25] =	ssyncset.done $0x0  }
0x91: {  	s0 =	sadd.s32 $0x4000, s0;
	[sflag:s25] =	ssyncadd.s32 $0xFFFFD800  }
0x92: {  	[spmem:s1] =	stream.indirect.scatter.add.f32 [tilespmem:s20], [sflag:$0x2], $0x80, s0, s24, $0xb8;
	[tilespmem:$0x1ED80] =	vst v63  }
0x93: {  	_ =	swait.ge [sflag:s21], $0x2800  }
.Ltmp1:
0x94: {  	[sflag:s21] =	ssyncset.done $0x0;
	(pc) =	sbr.rel @p0 .LBB2_4-.Ltmp1, $4  }
0x95: {  	[sflag:s21] =	ssyncadd.s32 $0xFFFFD800  }
0x96: {  	[spmem:s2] =	stream.indirect.scatter.add.f32 [tilespmem:s26], [sflag:$0x2], $0x1, s0, s24, $0xb8;
	[tilespmem:$0x1ED80] =	vst v63  }
0x97: {  	_ =	swait.ge [sflag:s21], $0x50  }
0x98: {  	s31 =	smov.u32 s3;
	[sflag:s21] =	ssyncset.done $0x0  }
0x99: {  	s0 =	sshra.s32 s30, $0x2;
	[sflag:s21] =	ssyncadd.s32 $0xFFFFFFB0  }
0x9a: {  	[tilespmem:s20], [sflag:$0x1] =	stream.indirect.gather [hbm4b:s5+s24], $0x80, s0, s24, $0xb8;
	[tilespmem:$0x1ED80] =	vst v63  }
0x9b: {  	_ =	swait.ge [sflag:s25], $0x2800  }
0x9c: {  	[sflag:s25] =	ssyncset.done $0x0  }
0x9d: {  	s0 =	sadd.s32 $0x4000, s0;
	[sflag:s25] =	ssyncadd.s32 $0xFFFFD800  }
0x9e: {  	[spmem:s1] =	stream.indirect.scatter.add.f32 [tilespmem:s20], [sflag:$0x2], $0x80, s0, s24, $0xb8;
	[tilespmem:$0x1ED80] =	vst v63  }
0x9f: {  	_ =	swait.ge [sflag:s21], $0x2800  }
0xa0: {  	[sflag:s21] =	ssyncset.done $0x0  }
0xa1: {  	[sflag:s21] =	ssyncadd.s32 $0xFFFFD800  }
0xa2: {  	[spmem:s2] =	stream.indirect.scatter.add.f32 [tilespmem:s26], [sflag:$0x2], $0x1, s0, s24, $0xb8;
	[tilespmem:$0x1ED80] =	vst v63  }
0xa3: {  	_ =	swait.ge [sflag:s21], $0x50  }
0xa4: {  	s30 =	stileid.u32;
	[sflag:s21] =	ssyncset.done $0x0  }
0xa5: {  	s0 =	sshll.u32 s30, $0x6;
	[sflag:s21] =	ssyncadd.s32 $0xFFFFFFB0  }
0xa6: {  	s3 =	sshrl.u32 s6, $0x3;
	s0 =	sor.u32 $0x1C02, s0;
	[bflag:$0x0] =	sbarrier.arrive $0xFFFF  }
0xa7: {  	[hbm:s17], [sflag:s0] =	dma.local [spmem:s3], $0x2800  }
0xa8: {  	s4 =	sadd.s32 $0x1, s4;
	_ =	swait.ge [sflag:s21], $0x2800  }
0xa9: {  	p0 =	sne.s32 s4, s19;
	[sflag:s21] =	ssyncset.done $0x0  }
.Ltmp2:
0xaa: {  	s31 =	sshrl.u32 s14, $0x3;
	[sflag:s21] =	ssyncadd.s32 $0xFFFFD800;
	(pc) =	sbr.rel @p0 .LBB2_1-.Ltmp2, $4  }
0xab: {  	[hbm:s18@s28], [sflag:s0] =	dma.strided [spmem:s31@s29], $0x50, s25, $0x10   }
0xac: {  	_ =	swait.ge [sflag:s21], $0x50  }
0xad: {  	[sflag:s21] =	ssyncset.done $0x0  }
0xae: {  	[sflag:s21] =	ssyncadd.s32 $0xFFFFFFB0  }
0xaf: {  	_ =	sfence.sel $0x180000  }
0xb0: {  	[bflag:$0x0] =	sbarrier.arrive $0xFFFF  }
0xb1: {  	_ =	strace $0x90000047  }
0xb2: {  	s0 =	stileid.u32;
	[bflag:$0x2] =	sbarrier.arrive $0xFFFF  }
0xb3: {  	p0 =	sne.s32 s0, $0x0;
	s0 =	rddreg [dreg:$0x4]  }
0xb4: {  	s0 =	sadd.s32 @!p0 $0x100000, s0  }
0xb5: {  	[sflag:s0] =	ssyncadd.tile.s32 @!p0 $0x1;
	_ =	shalt  }
.Lfunc_end2:
_tile_overlayer_lowered:
.L_overlay_start_2:
0xb6: {  	(tag) =	ssettag $0x2  }
0xb7: {  	s0 =	rddreg [dreg:$0x0];
	s2 =	stileid.u32  }
0xb8: {  	s1 =	rddreg [dreg:$0x1];
	p0 =	sne.s32 s2, $0x0  }
0xb9: {  	s3 =	rddreg [dreg:$0x2];
	[bflag:$0x3] =	sbarrier.arrive $0xFFFF;
	s2 =	simm.s32 @!p0 $0x1C02  }
0xba: {  	[timem:s3], [sflag:s2] =	dma.local @!p0 [hbm:s0], s1  }
0xbb: {  	s0 =	simm.s32 @!p0 $0x2  }
0xbc: {  	_ =	swait.ge @!p0 [sflag:s0], s1  }
0xbd: {  	s1 =	ssub.s32 @!p0 $0x0, s1;
	[sflag:s0] =	ssyncset.done @!p0 $0x0  }
0xbe: {  	[sflag:s0] =	ssyncadd.s32 @!p0 s1  }
0xbf: {  	[bflag:$0x3] =	sbarrier.arrive $0xFFFF  }
0xc0: {  	_ =	shalt  }

// kernel: kernel.9.cloned.1.call-start
scs
__scs_entry_jumppad:
0x0: {  	(pc) =	sbr.rel $0x88, $3  }
0x1: {  	(tag) =	ssettag $0x0;
	lr =	simm.s32 $0x1  }
0x2: {  	[smem:$0x3F99] =	sst lr;
	_ =	strace $0xD0000000  }
0x3: {  	_ = 	snop  }
0x4: {  	_ = 	snop  }
0x5: {  	_ = 	snop  }
0x6: {  	_ = 	snop  }
0x7: {  	_ = 	snop  }
__scs_overlays_trampoline_lowered:
0x8: {  	[smem:$0x3FA8] =	sst s0  }
0x9: {  	[smem:$0x3FA9] =	sst s1  }
0xa: {  	[smem:$0x3FAA] =	sst s2  }
0xb: {  	[smem:$0x3FAB] =	sst s3  }
0xc: {  	[smem:$0x3FAC] =	sst s4  }
0xd: {  	[smem:$0x3FAD] =	sst s5  }
0xe: {  	[smem:$0x3FAE] =	sst s6  }
0xf: {  	[smem:$0x3FAF] =	sst s7  }
0x10: {  	[smem:$0x3FB0] =	sst s8  }
0x11: {  	[smem:$0x3FB1] =	sst s9;
	s0 =	simm.s32 @!p0 $0x0  }
0x12: {  	s1 =	sld [smem:$0x3F97];
	s0 =	simm.s32 @p0 $0x1  }
0x13: {  	[smem:$0x3FB2] =	sst s0;
	s0 =	simm.s32 @!p1 $0x0  }
0x14: {  	s2 =	sld [smem:$0x3F96];
	s0 =	simm.s32 @p1 $0x1  }
0x15: {  	[smem:$0x3FB3] =	sst s0;
	s0 =	simm.s32 @!p2 $0x0  }
0x16: {  	s3 =	sld [smem:$0x3FDB];
	s0 =	simm.s32 @p2 $0x1  }
0x17: {  	s4 =	simm.s32 $0x1BF5;
	[smem:$0x3FB5] =	sst s0  }
0x18: {  	s0 =	sld [smem:$0x3F98];
	_ =	swait.ge [sflag:s4], $0x0  }
0x19: {  	s7 =	sld [smem:$0x3F99]  }
0x1a: {  	s8 =	sadd.s32 $0xFFFFE003, lr  }
0x1b: {  	s9 =	sadd.s32 $0xFFFFFEF7, lr;
	s5 =	simm.s32 $0xFFFFFFFF;
	p2 =	slt.u32 s8, $0xFFFFF086  }
0x1c: {  	p1 =	slt.u32 s9, $0xF7A;
	s5 =	simm.s32 @!p2 $0x0  }
0x1d: {  	s5 =	simm.s32 @p1 $0x1;
	p0 =	seq.s32 s7, s2  }
0x1e: {  	s7 =	smul.u32 @!p0 $0xF7A, s2;
	p2 =	seq.s32 @!p0 s5, $0x0  }
0x1f: {  	s9 =	smul.u32 $0xF7A, s1;
	s8 =	simm.s32 @!p0 $0x1BF5;
	p2 =	por !p2, p0  }
0x20: {  	[sflag:s8] =	ssyncset.s32 @!p0 $0xFFFFF086;
	s6 =	sadd.s32 @!p0 s3, s7;
	s7 =	simm.s32 @!p0 $0x108  }
0x21: {  	s3 =	sadd.s32 s3, s9;
	s6 =	sadd.s32 @!p0 $0x88, s6;
	s7 =	simm.s32 @p2 $0x1082  }
0x22: {  	[simem:s7], [sflag:s8] =	dma.local @!p0 [hbm:s6], $0xF7A  }
0x23: {  	s9 =	sor.u32 $0xD0000000, s2;
	s6 =	simm.s32 $0x108;
	_ =	swait.ge @!p0 [sflag:s8], $0x0  }
0x24: {  	s3 =	sadd.s32 $0x88, s3;
	s6 =	simm.s32 @!p1 $0x1082;
	[sflag:s4] =	ssyncset.s32 $0xFFFFF086  }
0x25: {  	[simem:s6], [sflag:s4] =	dma.local [hbm:s3], $0xF7A  }
0x26: {  	[smem:$0x3F99] =	sst s1;
	(tag) =	ssettag s2;
	_ =	strace s9  }
0x27: {  	s1 =	sld [smem:$0x3FA9]  }
0x28: {  	s2 =	sld [smem:$0x3FAA]  }
0x29: {  	s4 =	sld [smem:$0x3FAC]  }
0x2a: {  	p0 =	seq.s32 s5, $0x0;
	s5 =	sld [smem:$0x3FAD]  }
0x2b: {  	s6 =	sld [smem:$0x3FAE]  }
0x2c: {  	s7 =	sld [smem:$0x3FAF]  }
0x2d: {  	s3 =	simm.s32 $0x108;
	s8 =	sld [smem:$0x3FB0]  }
0x2e: {  	s3 =	simm.s32 @!p0 $0x1082;
	s9 =	sld [smem:$0x3FB1]  }
0x2f: {  	lr =	sadd.s32 s0, s3;
	s0 =	sld [smem:$0x3FA8]  }
0x30: {  	s3 =	sld [smem:$0x3FAB]  }
0x31: {  	[smem:$0x3FB4] =	sst s10  }
0x32: {  	s10 =	sld [smem:$0x3FB2];
	_ =	sdelay $0x3  }
0x33: {  	p0 =	seq.s32 s10, $0x1;
	s10 =	sld [smem:$0x3FB4];
	_ =	sdelay $0x3  }
0x34: {  	[smem:$0x3FB4] =	sst s10  }
0x35: {  	s10 =	sld [smem:$0x3FB3];
	_ =	sdelay $0x3  }
0x36: {  	p1 =	seq.s32 s10, $0x1;
	s10 =	sld [smem:$0x3FB4];
	_ =	sdelay $0x3  }
0x37: {  	[smem:$0x3FB4] =	sst s10  }
0x38: {  	s10 =	sld [smem:$0x3FB5]  }
0x39: {  	_ = 	snop;
	(pc) =	sbr.ind lr, $3  }
0x3a: {  	_ = 	snop  }
0x3b: {  	_ = 	snop  }
0x3c: {  	p2 =	seq.s32 s10, $0x1;
	s10 =	sld [smem:$0x3FB4]  }
0x3d: {  	_ =	shalt  }
0x3e: {  	_ =	shalt  }
0x3f: {  	_ =	shalt  }
0x40: {  	_ =	shalt  }
0x41: {  	_ =	shalt  }
0x42: {  	_ =	shalt  }
0x43: {  	_ =	shalt  }
0x44: {  	_ =	shalt  }
0x45: {  	_ =	shalt  }
0x46: {  	_ =	shalt  }
0x47: {  	_ =	shalt  }
0x48: {  	_ =	shalt  }
0x49: {  	_ =	shalt  }
0x4a: {  	_ =	shalt  }
0x4b: {  	_ =	shalt  }
0x4c: {  	_ =	shalt  }
0x4d: {  	_ =	shalt  }
0x4e: {  	_ =	shalt  }
0x4f: {  	_ =	shalt  }
0x50: {  	_ =	shalt  }
0x51: {  	_ =	shalt  }
0x52: {  	_ =	shalt  }
0x53: {  	_ =	shalt  }
0x54: {  	_ =	shalt  }
0x55: {  	_ =	shalt  }
0x56: {  	_ =	shalt  }
0x57: {  	_ =	shalt  }
0x58: {  	_ =	shalt  }
0x59: {  	_ =	shalt  }
0x5a: {  	_ =	shalt  }
0x5b: {  	_ =	shalt  }
0x5c: {  	_ =	shalt  }
0x5d: {  	_ =	shalt  }
0x5e: {  	_ =	shalt  }
0x5f: {  	_ =	shalt  }
0x60: {  	_ =	shalt  }
0x61: {  	_ =	shalt  }
0x62: {  	_ =	shalt  }
0x63: {  	_ =	shalt  }
0x64: {  	_ =	shalt  }
0x65: {  	_ =	shalt  }
0x66: {  	_ =	shalt  }
0x67: {  	_ =	shalt  }
0x68: {  	_ =	shalt  }
0x69: {  	_ =	shalt  }
0x6a: {  	_ =	shalt  }
0x6b: {  	_ =	shalt  }
0x6c: {  	_ =	shalt  }
0x6d: {  	_ =	shalt  }
0x6e: {  	_ =	shalt  }
0x6f: {  	_ =	shalt  }
0x70: {  	_ =	shalt  }
0x71: {  	_ =	shalt  }
0x72: {  	_ =	shalt  }
0x73: {  	_ =	shalt  }
0x74: {  	_ =	shalt  }
0x75: {  	_ =	shalt  }
0x76: {  	_ =	shalt  }
0x77: {  	_ =	shalt  }
0x78: {  	_ =	shalt  }
0x79: {  	_ =	shalt  }
0x7a: {  	_ =	shalt  }
0x7b: {  	_ =	shalt  }
0x7c: {  	_ =	shalt  }
0x7d: {  	_ =	shalt  }
0x7e: {  	_ =	shalt  }
0x7f: {  	_ =	shalt  }
0x80: {  	_ =	shalt  }
0x81: {  	_ =	shalt  }
0x82: {  	_ =	shalt  }
0x83: {  	_ =	shalt  }
0x84: {  	_ =	shalt  }
0x85: {  	_ =	shalt  }
0x86: {  	_ =	shalt  }
0x87: {  	_ =	shalt  }
.Lfunc_end0:
.L_simem_size_0:
called_computation.1_lowered:
.L_overlay_start_0:
0x88: {  	s2 =	sld [smem:$0x3FD9]  }
0x89: {  	s3 =	sld [smem:$0x3FFE];
	_ =	sdelay $0x1  }
0x8a: {  	s1 =	srdreg.scid  }
0x8b: {  	s0 =	sand.u32 $0x1, s1  }
0x8c: {  	s17 =	sshll.u32 s0, $0xA;
	s2 =	sadd.s32 s3, s2  }
0x8d: {  	s2 =	sadd.s32 s2, s17  }
0x8e: {  	[smem:$0x3FC0] =	sst s2  }
0x8f: {  	_ = 	snop  }
0x90: {  	s2 =	sld [smem:$0x3FD0];
	(tm) =	ssettm $0x1  }
0x91: {  	s18 =	sld [smem:$0x3FFB];
	_ =	sdelay $0x3  }
0x92: {  	_ =	strace s18  }
0x93: {  	s3 =	sld [smem:$0x3FFC];
	_ =	sdelay $0x3  }
0x94: {  	_ =	strace s3  }
0x95: {  	s3 =	sld [smem:$0x3FFD];
	_ =	sdelay $0x3  }
0x96: {  	_ =	strace s3  }
0x97: {  	_ =	strace $0x8FFFFFFF  }
0x98: {  	s19 =	sld [smem:$0x3FDB];
	_ =	sdelay $0x1  }
0x99: {  	s4 =	simm.s32 $_scs_section_size  }
0x9a: {  	s5 =	simm.s32 $_size__tile_overlayer_lowered;
	s6 =	simm.s32 $_tile_overlayer_lowered  }
0x9b: {  	s22 =	simm.s32 $0x1BFF;
	s21 =	sshll.u32 s6, $0x1;
	s3 =	sadd.s32 s4, s19  }
0x9c: {  	s7 =	simm.s32 $0x0;
	s20 =	sshll.u32 s5, $0x1;
	s5 =	sadd.s32 s21, s3  }
0x9d: {  	[timem:s7], [sflag:s22] =	dma.local [hbm:s5], s20  }
0x9e: {  	_ =	swait.ge [sflag:s22], s20  }
0x9f: {  	s4 =	ssub.s32 $0x0, s20;
	[sflag:s22] =	ssyncset.done $0x0  }
0xa0: {  	[sflag:s22] =	ssyncadd.s32 s4;
	_ =	sdelay $0x1  }
0xa1: {  	s23 =	simm.s32 $0x1B8B  }
0xa2: {  	_ =	swait.ge [sflag:s23], $0x1  }
0xa3: {  	[sflag:s23] =	ssyncset.done $0x0  }
0xa4: {  	s25 =	simm.s32 $0x1B8E;
	s24 =	sld [smem:$0x3FFE];
	[sflag:s23] =	ssyncadd.s32 $0xFFFFFFFF  }
0xa5: {  	s26 =	simm.s32 $execute0_lowered;
	[smem:$0x3FD2] =	sst s25  }
0xa6: {  	s5 =	sshll.u32 s26, $0x1;
	_ =	strace $0x80000049;
	[dreg:$0x1] =	wrdreg $0xFFFFFFFF  }
0xa7: {  	s28 =	simm.s32 $_size_execute0_lowered;
	s3 =	sadd.s32 s3, s5;
	[dreg:$0x0] =	wrdreg $0x0  }
0xa8: {  	s5 =	sshll.u32 s28, $0x1;
	[dreg:$0x2] =	wrdreg s3  }
0xa9: {  	[dreg:$0x3] =	wrdreg s5  }
0xaa: {  	[dreg:$0x4] =	wrdreg $0xC0  }
0xab: {  	_ =	task [dreg:s7], $0x5FFFF  }
0xac: {  	[dreg:$0x1] =	wrdreg $0xFFFFFFFF  }
0xad: {  	[dreg:$0x0] =	wrdreg $0x60  }
0xae: {  	[dreg:$0x2] =	wrdreg s24  }
0xaf: {  	[dreg:$0x3] =	wrdreg s2  }
0xb0: {  	[dreg:$0x4] =	wrdreg $0xAB000  }
0xb1: {  	[dreg:$0x5] =	wrdreg $0x1EB000  }
0xb2: {  	[dreg:$0x6] =	wrdreg $0x9  }
0xb3: {  	_ =	task.clear_ibuf [dreg:s7], $0x7FFFF;
	_ =	strace $0x90000049  }
0xb4: {  	s29 =	simm.s32 $0x9;
	_ =	strace $0x8000004B  }
0xb5: {  	_ =	swait.ge [sflag:s29], $0x1  }
0xb6: {  	[sflag:s29] =	ssyncadd.s32 $0xFFFFFFFF  }
0xb7: {  	_ =	strace $0x9000004B  }
0xb8: {  	_ =	sfence  }
0xb9: {  	s30 =	sld [smem:$0x0];
	_ =	sdelay $0x2  }
0xba: {  	s31 =	sshll.u32 s1, $0xD;
	s1 =	sshrl.u32 s1, $0x2  }
0xbb: {  	s3 =	sand.u32 $0x4000, s31;
	s1 =	sadd.s32 s1, s30  }
0xbc: {  	s0 =	sor.u32 s3, s0;
	s1 =	sshll.u32 s1, $0x11  }
0xbd: {  	s0 =	sor.u32 s1, s0  }
0xbe: {  	s0 =	sadd.s32 $0x8F2B, s0  }
0xbf: {  	[sflag:s0] =	ssyncadd.remote.s32 $0x1  }
0xc0: {  	_ =	sfence.sel $0xFFFF  }
0xc1: {  	[dreg:$0x0] =	wrdreg $0xFFFFFFFF;
	(pc) =	sbr.abs _section_cstart, $3  }
0xc2: {  	[dreg:$0x1] =	wrdreg $0xFFFFFFFF  }
0xc3: {  	_ =	task.clear_ibuf [dreg:s7], $0x2FFFF;
	_ =	strace $0x9FFFFFFF  }
0xc4: {  	(tm) =	ssettm $0x7FFFFFFF  }
0xc5: {  	_ =	shalt  }
tec
execute0_lowered:
.L_overlay_start_1:
0x0: {  	(tag) =	ssettag $0x1  }
0x1: {  	s5 =	rddreg [dreg:$0x0]  }
0x2: {  	s14 =	rddreg [dreg:$0x1]  }
0x3: {  	s1 =	rddreg [dreg:$0x2]  }
0x4: {  	s13 =	rddreg [dreg:$0x3]  }
0x5: {  	s0 =	rddreg [dreg:$0x4]  }
0x6: {  	s3 =	simm.s32 $0x0;
	s2 =	srdreg.scid;
	s20 =	simm.s32 $0xA880  }
0x7: {  	s21 =	simm.s32 $0x4000;
	s22 =	simm.s32 $0x50;
	s6 =	sand.u32 $0x1, s2  }
0x8: {  	s23 =	simm.s32 $0x1;
	s2 =	stileid.u32;
	s7 =	smul.u32 $0x140000, s6  }
0x9: {  	[smem:$0x7FF] =	sst s3;
	s4 =	sshll.u32 s2, $0xC;
	s9 =	smul.u32 $0x14000, s2  }
0xa: {  	s8 =	sshll.u32 s6, $0xB;
	_ =	strace $0x8000004A;
	s30 =	smul.u32 $0x50000, s2  }
0xb: {  	s6 =	ssub.s32 $0x2, s6;
	s12 =	smul.u32 $0xA00, s2;
	s15 =	sor.u32 s8, s4  }
0xc: {  	s4 =	sadd.s32 $0x12C00, s5;
	s31 =	sshrl.u32 s6, $0x1;
	s16 =	sadd.s32 s15, s5  }
0xd: {  	s7 =	sadd.s32 s9, s7;
	s8 =	sshrl.u32 s30, $0x2;
	s18 =	ssub.s32 s6, s31  }
0xe: {  	s19 =	sshrl.u32 s12, $0x2;
	s14 =	sadd.s32 s14, s15;
	s7 =	sshrl.u32 s7, $0x3  }
0xf: {  	s13 =	sadd.s32 s19, s13;
	s17 =	sadd.s32 s7, s5;
	s5 =	sadd.s32 s8, s1  }
0x10: {  	s15 =	sadd.s32 $0x2C00, s16;
	s19 =	simm.s32 $0x2;
	s6 =	sadd.s32 $0x2800, s5  }
0x11: {  	s7 =	sadd.s32 $0x5000, s5;
	s8 =	sadd.s32 $0x7800, s5;
	s9 =	sadd.s32 $0xA000, s5  }
0x12: {  	s10 =	sadd.s32 $0xC800, s5;
	s11 =	sadd.s32 $0xF000, s5;
	s12 =	sadd.s32 $0x11800, s5  }
0x13: {  	v0 =	vimm.f32 $0.0e+00;
	v1 =	vimm.f32 $1.000000000e+00;
	s16 =	sadd.s32 $0x3AC00, s17;
	s17 =	smax.u32 s18, $0x1;
	s18 =	simm.s32 $0x8000  }
.LBB2_1:
0x14: {  	s24 =	simm.s32 $0x0;
	s25 =	simm.s32 $0x200  }
.LBB2_2:
0x15: {  	p0 =	sne.s32 s25, $0x9E00;
	[tilespmem:s24+$0x8070] =	vst v0  }
0x16: {  	[tilespmem:s24+$0x8000] =	vst v0  }
0x17: {  	[tilespmem:s24+$0x8010] =	vst v0  }
.Ltmp0:
0x18: {  	[tilespmem:s24+$0x8020] =	vst v0;
	(pc) =	sbr.rel @p0 .LBB2_2-.Ltmp0, $4  }
0x19: {  	[tilespmem:s24+$0x8030] =	vst v0  }
0x1a: {  	[tilespmem:s24+$0x8040] =	vst v0  }
0x1b: {  	[tilespmem:s24+$0x8050] =	vst v0  }
0x1c: {  	[tilespmem:s24+$0x8060] =	vst v0;
	s24 =	sshra.s32 s25, $0x2;
	s25 =	sadd.s32 $0x200, s25  }
0x1d: {  	[tilespmem:s24+$0x8070] =	vst v0  }
0x1e: {  	[tilespmem:s24+$0x8000] =	vst v0  }
0x1f: {  	[tilespmem:s24+$0x8010] =	vst v0  }
0x20: {  	[tilespmem:s24+$0x8020] =	vst v0  }
0x21: {  	[tilespmem:s24+$0x8030] =	vst v0  }
0x22: {  	[tilespmem:s24+$0x8040] =	vst v0  }
0x23: {  	[tilespmem:s24+$0x8050] =	vst v0  }
0x24: {  	[tilespmem:s24+$0x8060] =	vst v0  }
0x25: {  	[tilespmem:$0xA880] =	vst v0  }
0x26: {  	[tilespmem:$0xA890] =	vst v0  }
0x27: {  	[tilespmem:$0xA8A0] =	vst v0  }
0x28: {  	[tilespmem:$0xA8B0] =	vst v0  }
0x29: {  	[tilespmem:$0xA8C0] =	vst v0  }
0x2a: {  	[tilespmem:$0xA8D0] =	vst v0  }
0x2b: {  	[tilespmem:$0xA8E0] =	vst v0  }
0x2c: {  	[tilespmem:$0xA8F0] =	vst v0  }
0x2d: {  	[tilespmem:$0xA900] =	vst v0  }
0x2e: {  	[tilespmem:$0xA910] =	vst v0  }
0x2f: {  	[tilespmem:$0xA920] =	vst v0  }
0x30: {  	[tilespmem:$0xA930] =	vst v0  }
0x31: {  	[tilespmem:$0xA940] =	vst v0  }
0x32: {  	[tilespmem:$0xA950] =	vst v0  }
0x33: {  	[tilespmem:$0xA960] =	vst v0  }
0x34: {  	[tilespmem:$0xA970] =	vst v0  }
0x35: {  	[tilespmem:$0xA980] =	vst v0  }
0x36: {  	[tilespmem:$0xA990] =	vst v0  }
0x37: {  	[tilespmem:$0xA9A0] =	vst v0  }
0x38: {  	[tilespmem:$0xA9B0] =	vst v0  }
0x39: {  	[tilespmem:$0xA9C0] =	vst v0  }
0x3a: {  	[tilespmem:$0xA9D0] =	vst v0  }
0x3b: {  	[tilespmem:$0xA9E0] =	vst v0  }
0x3c: {  	[tilespmem:$0xA9F0] =	vst v0  }
0x3d: {  	[tilespmem:$0xAA00] =	vst v0  }
0x3e: {  	[tilespmem:$0xAA10] =	vst v0  }
0x3f: {  	[tilespmem:$0xAA20] =	vst v0  }
0x40: {  	[tilespmem:$0xAA30] =	vst v0  }
0x41: {  	[tilespmem:$0xAA40] =	vst v0  }
0x42: {  	[tilespmem:$0xAA50] =	vst v0  }
0x43: {  	[tilespmem:$0xAA60] =	vst v0  }
0x44: {  	[tilespmem:$0xAA70] =	vst v0  }
0x45: {  	[tilespmem:$0xAA80] =	vst v0  }
0x46: {  	[tilespmem:$0xAA90] =	vst v0  }
0x47: {  	[tilespmem:$0xAAA0] =	vst v0  }
0x48: {  	[tilespmem:$0xAAB0] =	vst v0  }
0x49: {  	[tilespmem:$0xAAC0] =	vst v0  }
0x4a: {  	[tilespmem:$0xAAD0] =	vst v0  }
0x4b: {  	[tilespmem:$0xAAE0] =	vst v0  }
0x4c: {  	[tilespmem:$0xAAF0] =	vst v0  }
0x4d: {  	[tilespmem:$0xA800] =	vst v1  }
0x4e: {  	[tilespmem:$0xA810] =	vst v1  }
0x4f: {  	[tilespmem:$0xA820] =	vst v1  }
0x50: {  	[tilespmem:$0xA830] =	vst v1  }
0x51: {  	[tilespmem:$0xA840] =	vst v1  }
0x52: {  	[spmem:s5] =	stream.linear.scatter [tilespmem:s18], [sflag:$0x2], $0x2800, $0x38;
	[tilespmem:$0x1ED80] =	vst v63  }
0x53: {  	_ =	swait.ge [sflag:s19], $0x2800  }
0x54: {  	[sflag:s19] =	ssyncset.done $0x0  }
0x55: {  	[sflag:s19] =	ssyncadd.s32 $0xFFFFD800  }
0x56: {  	[spmem:s6] =	stream.linear.scatter [tilespmem:s18], [sflag:$0x2], $0x2800, $0x38;
	[tilespmem:$0x1ED80] =	vst v63  }
0x57: {  	_ =	swait.ge [sflag:s19], $0x2800  }
0x58: {  	[sflag:s19] =	ssyncset.done $0x0  }
0x59: {  	[sflag:s19] =	ssyncadd.s32 $0xFFFFD800  }
0x5a: {  	[spmem:s7] =	stream.linear.scatter [tilespmem:s18], [sflag:$0x2], $0x2800, $0x38;
	[tilespmem:$0x1ED80] =	vst v63  }
0x5b: {  	_ =	swait.ge [sflag:s19], $0x2800  }
0x5c: {  	[sflag:s19] =	ssyncset.done $0x0  }
0x5d: {  	[sflag:s19] =	ssyncadd.s32 $0xFFFFD800  }
0x5e: {  	[spmem:s8] =	stream.linear.scatter [tilespmem:s18], [sflag:$0x2], $0x2800, $0x38;
	[tilespmem:$0x1ED80] =	vst v63  }
0x5f: {  	_ =	swait.ge [sflag:s19], $0x2800  }
0x60: {  	[sflag:s19] =	ssyncset.done $0x0  }
0x61: {  	[sflag:s19] =	ssyncadd.s32 $0xFFFFD800  }
0x62: {  	[spmem:s9] =	stream.linear.scatter [tilespmem:s18], [sflag:$0x2], $0x2800, $0x38;
	[tilespmem:$0x1ED80] =	vst v63  }
0x63: {  	_ =	swait.ge [sflag:s19], $0x2800  }
0x64: {  	[sflag:s19] =	ssyncset.done $0x0  }
0x65: {  	[sflag:s19] =	ssyncadd.s32 $0xFFFFD800  }
0x66: {  	[spmem:s10] =	stream.linear.scatter [tilespmem:s18], [sflag:$0x2], $0x2800, $0x38;
	[tilespmem:$0x1ED80] =	vst v63  }
0x67: {  	_ =	swait.ge [sflag:s19], $0x2800  }
0x68: {  	[sflag:s19] =	ssyncset.done $0x0  }
0x69: {  	[sflag:s19] =	ssyncadd.s32 $0xFFFFD800  }
0x6a: {  	[spmem:s11] =	stream.linear.scatter [tilespmem:s18], [sflag:$0x2], $0x2800, $0x38;
	[tilespmem:$0x1ED80] =	vst v63  }
0x6b: {  	_ =	swait.ge [sflag:s19], $0x2800  }
0x6c: {  	[sflag:s19] =	ssyncset.done $0x0  }
0x6d: {  	[sflag:s19] =	ssyncadd.s32 $0xFFFFD800  }
0x6e: {  	[spmem:s12] =	stream.linear.scatter [tilespmem:s18], [sflag:$0x2], $0x2800, $0x38;
	[tilespmem:$0x1ED80] =	vst v63  }
0x6f: {  	_ =	swait.ge [sflag:s19], $0x2800  }
0x70: {  	[sflag:s19] =	ssyncset.done $0x0  }
0x71: {  	[sflag:s19] =	ssyncadd.s32 $0xFFFFD800  }
0x72: {  	[spmem:s13] =	stream.linear.scatter [tilespmem:s20], [sflag:$0x2], $0x280, $0x38;
	[tilespmem:$0x1ED80] =	vst v63  }
0x73: {  	_ =	swait.ge [sflag:s19], $0x280  }
0x74: {  	[sflag:s19] =	ssyncset.done $0x0  }
0x75: {  	[sflag:s19] =	ssyncadd.s32 $0xFFFFFD80  }
0x76: {  	s29 =	simm.s32 $0x0;
	[bflag:$0x0] =	sbarrier.arrive $0xFFFF  }
0x77: {  	[tilespmem:s29], [sflag:$0x2] =	stream.linear.gather [hbm4b:s14+s29], $0x3E80, $0x38;
	[tilespmem:$0x1ED80] =	vst v63  }
0x78: {  	_ =	swait.ge [sflag:s19], $0x3E80  }
0x79: {  	[sflag:s19] =	ssyncset.done $0x0  }
0x7a: {  	[sflag:s19] =	ssyncadd.s32 $0xFFFFC180  }
0x7b: {  	[tilespmem:s21], [sflag:$0x2] =	stream.linear.gather [hbm4b:s15+s29], $0x3E80, $0x38;
	[tilespmem:$0x1ED80] =	vst v63  }
0x7c: {  	_ =	swait.ge [sflag:s19], $0x3E80  }
0x7d: {  	[sflag:s19] =	ssyncset.done $0x0  }
0x7e: {  	s30 =	simm.s32 $0x0;
	[sflag:s19] =	ssyncadd.s32 $0xFFFFC180  }
0x7f: {  	[tilespmem:s18], [sflag:$0x1] =	stream.indirect.gather [hbm4b:s4+s22], $0x80, s30, s22, $0xb8;
	[tilespmem:$0x1ED80] =	vst v63  }
0x80: {  	_ =	swait.ge [sflag:s23], $0x2800  }
0x81: {  	[sflag:s23] =	ssyncset.done $0x0  }
0x82: {  	s31 =	simm.s32 $0x4000;
	[sflag:s23] =	ssyncadd.s32 $0xFFFFD800  }
0x83: {  	[spmem:s1] =	stream.indirect.scatter.add.f32 [tilespmem:s18], [sflag:$0x2], $0x80, s31, s22, $0xb8;
	[tilespmem:$0x1ED80] =	vst v63  }
0x84: {  	_ =	swait.ge [sflag:s19], $0x2800  }
0x85: {  	s24 =	simm.s32 $0x200;
	s25 =	simm.s32 $0x400;
	[sflag:s19] =	ssyncset.done $0x0  }
.LBB2_4:
0x86: {  	s26 =	sshra.s32 s24, $0x2  }
0x87: {  	[sflag:s19] =	ssyncadd.s32 $0xFFFFD800;
	s24 =	smov.u32 s25;
	s28 =	sadd.s32 $0x200, s25  }
0x88: {  	[tilespmem:s18], [sflag:$0x1] =	stream.indirect.gather [hbm4b:s4+s22], $0x80, s26, s22, $0xb8;
	[tilespmem:$0x1ED80] =	vst v63  }
0x89: {  	p0 =	sne.s32 s25, $0xF800;
	_ =	swait.ge [sflag:s23], $0x2800  }
.Ltmp1:
0x8a: {  	[sflag:s23] =	ssyncset.done $0x0;
	(pc) =	sbr.rel @p0 .LBB2_4-.Ltmp1, $4  }
0x8b: {  	s25 =	sadd.s32 $0x4000, s26;
	[sflag:s23] =	ssyncadd.s32 $0xFFFFD800  }
0x8c: {  	[spmem:s1] =	stream.indirect.scatter.add.f32 [tilespmem:s18], [sflag:$0x2], $0x80, s25, s22, $0xb8;
	[tilespmem:$0x1ED80] =	vst v63  }
0x8d: {  	_ =	swait.ge [sflag:s19], $0x2800  }
0x8e: {  	s25 =	smov.u32 s28;
	[sflag:s19] =	ssyncset.done $0x0  }
0x8f: {  	s24 =	sshra.s32 s24, $0x2;
	[sflag:s19] =	ssyncadd.s32 $0xFFFFD800  }
0x90: {  	[tilespmem:s18], [sflag:$0x1] =	stream.indirect.gather [hbm4b:s4+s22], $0x80, s24, s22, $0xb8;
	[tilespmem:$0x1ED80] =	vst v63  }
0x91: {  	_ =	swait.ge [sflag:s23], $0x2800  }
0x92: {  	[sflag:s23] =	ssyncset.done $0x0  }
0x93: {  	s24 =	sadd.s32 $0x4000, s24;
	[sflag:s23] =	ssyncadd.s32 $0xFFFFD800  }
0x94: {  	[spmem:s1] =	stream.indirect.scatter.add.f32 [tilespmem:s18], [sflag:$0x2], $0x80, s24, s22, $0xb8;
	[tilespmem:$0x1ED80] =	vst v63  }
0x95: {  	_ =	swait.ge [sflag:s19], $0x2800  }
0x96: {  	s31 =	sshll.u32 s2, $0x6;
	s3 =	sadd.s32 $0x1, s3;
	[sflag:s19] =	ssyncset.done $0x0  }
0x97: {  	s25 =	sshrl.u32 s5, $0x3;
	p0 =	sne.s32 s3, s17;
	[sflag:s19] =	ssyncadd.s32 $0xFFFFD800  }
.Ltmp2:
0x98: {  	s24 =	sor.u32 $0x1C02, s31;
	[bflag:$0x0] =	sbarrier.arrive $0xFFFF;
	(pc) =	sbr.rel @p0 .LBB2_1-.Ltmp2, $4  }
0x99: {  	[hbm:s16], [sflag:s24] =	dma.local [spmem:s25], $0x2800  }
0x9a: {  	_ =	swait.ge [sflag:s19], $0x2800  }
0x9b: {  	[sflag:s19] =	ssyncset.done $0x0  }
0x9c: {  	[sflag:s19] =	ssyncadd.s32 $0xFFFFD800  }
0x9d: {  	_ =	sfence.sel $0x180000  }
0x9e: {  	[bflag:$0x0] =	sbarrier.arrive $0xFFFF  }
0x9f: {  	p0 =	sne.s32 s2, $0x0;
	_ =	strace $0x9000004A  }
0xa0: {  	s0 =	sadd.s32 @!p0 $0x100000, s0;
	[bflag:$0x2] =	sbarrier.arrive $0xFFFF  }
0xa1: {  	[sflag:s0] =	ssyncadd.tile.s32 @!p0 $0x1;
	_ =	shalt  }
.Lfunc_end2:
_tile_overlayer_lowered:
.L_overlay_start_2:
0xa2: {  	(tag) =	ssettag $0x2  }
0xa3: {  	s0 =	rddreg [dreg:$0x0];
	s2 =	stileid.u32  }
0xa4: {  	s1 =	rddreg [dreg:$0x1];
	p0 =	sne.s32 s2, $0x0  }
0xa5: {  	s3 =	rddreg [dreg:$0x2];
	[bflag:$0x3] =	sbarrier.arrive $0xFFFF;
	s2 =	simm.s32 @!p0 $0x1C02  }
0xa6: {  	[timem:s3], [sflag:s2] =	dma.local @!p0 [hbm:s0], s1  }
0xa7: {  	s0 =	simm.s32 @!p0 $0x2  }
0xa8: {  	_ =	swait.ge @!p0 [sflag:s0], s1  }
0xa9: {  	s1 =	ssub.s32 @!p0 $0x0, s1;
	[sflag:s0] =	ssyncset.done @!p0 $0x0  }
0xaa: {  	[sflag:s0] =	ssyncadd.s32 @!p0 s1  }
0xab: {  	[bflag:$0x3] =	sbarrier.arrive $0xFFFF  }
0xac: {  	_ =	shalt  }

</sc_bundles>
